<compile_context>
chip_gen: v7x
topology: tpu7x:2x2x1
jax: 0.10.2.dev20260603
libtpu: 0.0.44.dev20260713+nightly
codegen_flags: <defaults>
</compile_context>

<pallas_src>
import functools
import math

import jax
import jax.numpy as jnp
from jax.experimental import pallas as pl
from jax.experimental.pallas import tpu as pltpu

B = 64
C = 3
IMG = 224
P = 16
D = 384
H = 8
L = 6
FF = 1536
NPATCH = (IMG // P) ** 2
N = NPATCH + 1
NP = 208
E = 8
TOPK = 2
ED = 256
KEEP = int(NPATCH * 0.5)
KP = 104
HD = D // H

PREC = jax.lax.Precision.DEFAULT
NEG = -1e30


def _mm(a, b, prec=PREC):
    return jax.lax.dot_general(a, b, (((1,), (0,)), ((), ())),
                               precision=prec,
                               preferred_element_type=jnp.float32)


def _mm_t(a, b, prec=PREC):
    return jax.lax.dot_general(a, b, (((1,), (1,)), ((), ())),
                               precision=prec,
                               preferred_element_type=jnp.float32)


def _xsum(x):
    rows, w = x.shape
    nv = -(-w // 128)
    if w % 128 != 0:
        x = jnp.concatenate(
            [x, jnp.zeros((rows, nv * 128 - w), jnp.float32)], axis=1)
    s = x[:, :128]
    for i in range(1, nv):
        s = s + x[:, i * 128:(i + 1) * 128]
    t = s + pltpu.roll(s, 127, 1)
    t = t + pltpu.roll(t, 126, 1)
    t = t + pltpu.roll(t, 124, 1)
    acc = t[:, 0:8]
    for j in range(1, 16):
        acc = acc + t[:, 8 * j:8 * j + 8]
    return acc[:, 0:1]


def _softmax(s):
    m = jnp.max(s, axis=-1, keepdims=True)
    es = jnp.exp(s - m)
    return es / _xsum(es)


def _ln(x, w, b, eps=1e-5):
    n = x.shape[-1]
    mu = _xsum(x) * (1.0 / n)
    var = _xsum((x - mu) ** 2) * (1.0 / n)
    return (x - mu) / jnp.sqrt(var + eps) * w + b


def _gelu(x):
    return 0.5 * x * (1.0 + jax.lax.erf(x * (1.0 / math.sqrt(2.0))))



def _embed_kernel(xp_ref, w_ref, cb_ref, pos_ref, out_ref):
    xp = xp_ref[0]
    t = _mm_t(xp, w_ref[...])
    out_ref[0] = t + cb_ref[...] + pos_ref[...]



def _layer_kernel(h_ref, wqkv_ref, bqkv_ref, wout_ref, bout_ref,
                  ln1w_ref, ln1b_ref, w1_ref, b1_ref, w2_ref, b2_ref,
                  ln2w_ref, ln2b_ref, out_ref):
    h = h_ref[0]
    qkv = _mm_t(h, wqkv_ref[...]) + bqkv_ref[...]

    key_idx = jax.lax.broadcasted_iota(jnp.int32, (NP, NP), 1)
    key_mask = key_idx < N

    outs = []
    for hh in range(H):
        q = qkv[:, hh * HD:(hh + 1) * HD]
        k = qkv[:, D + hh * HD:D + (hh + 1) * HD]
        v = qkv[:, 2 * D + hh * HD:2 * D + (hh + 1) * HD]
        s = _mm_t(q, k) / math.sqrt(HD)
        s = jnp.where(key_mask, s, NEG)
        p = _softmax(s)
        outs.append(_mm(p, v))
    o = jnp.concatenate(outs, axis=1)
    o = _mm_t(o, wout_ref[...]) + bout_ref[...]

    h1 = _ln(h + o, ln1w_ref[...], ln1b_ref[...])
    ff = jnp.maximum(_mm_t(h1, w1_ref[...]) + b1_ref[...], 0.0)
    ff = _mm_t(ff, w2_ref[...]) + b2_ref[...]
    out_ref[0] = _ln(h1 + ff, ln2w_ref[...], ln2b_ref[...])



def _route_kernel(hp_ref, sw1_ref, sb1_ref, sw2_ref, gw_ref, gb_ref,
                  sel_ref, gate_ref):
    hp = hp_ref[0]
    s1 = jnp.maximum(_mm_t(hp, sw1_ref[...]) + sb1_ref[...], 0.0)
    col = _xsum(s1 * sw2_ref[...])
    row = col.T

    ii = jax.lax.broadcasted_iota(jnp.int32, (NPATCH, NPATCH), 0)
    jj = jax.lax.broadcasted_iota(jnp.int32, (NPATCH, NPATCH), 1)
    beats = (row > col) | ((row == col) & (jj < ii))
    rank = jnp.sum(beats.astype(jnp.float32), axis=1, keepdims=True)

    rr = jax.lax.broadcasted_iota(jnp.int32, (KP, NPATCH), 0).astype(jnp.float32)
    M = (rank.T == rr).astype(jnp.float32)
    sel = _mm(M, hp)
    sel_ref[0] = sel

    gl = _mm_t(sel, gw_ref[...]) + gb_ref[...]
    eio = jax.lax.broadcasted_iota(jnp.int32, (KP, E), 1)
    m1 = jnp.max(gl, axis=1, keepdims=True)
    i1 = jnp.min(jnp.where(gl == m1, eio, E), axis=1, keepdims=True)
    sel1 = eio == i1
    glm = jnp.where(sel1, NEG, gl)
    m2 = jnp.max(glm, axis=1, keepdims=True)
    i2 = jnp.min(jnp.where(glm == m2, eio, E), axis=1, keepdims=True)
    sel2 = eio == i2
    eb = jnp.exp(m2 - m1)
    g1 = 1.0 / (1.0 + eb)
    g2 = eb / (1.0 + eb)
    keep = jax.lax.broadcasted_iota(jnp.int32, (KP, E), 0) < KEEP
    gates = jnp.where(sel1, g1, 0.0) + jnp.where(sel2, g2, 0.0)
    gate_ref[0] = jnp.where(keep, gates, 0.0)



def _expert_kernel(sel_ref, gate_ref, ew1_ref, eb1_ref, ew2_ref, eb2_ref,
                   ew3_ref, eb3_ref, out_ref):
    xs = sel_ref[0]
    g = gate_ref[0]
    acc = jnp.zeros((KP, ED), jnp.float32)
    for e in range(E):
        h1 = _gelu(_mm_t(xs, ew1_ref[e]) + eb1_ref[e:e + 1, :])
        h2 = _gelu(_mm_t(h1, ew2_ref[e]) + eb2_ref[e:e + 1, :])
        oe = _mm_t(h2, ew3_ref[e]) + eb3_ref[e:e + 1, :]
        acc = acc + oe * g[:, e:e + 1]
    out_ref[0] = jnp.sum(acc, axis=0, keepdims=True)



def _full(shape):
    return pl.BlockSpec(shape, lambda b: (0,) * len(shape))


def _batch(shape):
    return pl.BlockSpec(shape, lambda b: (b,) + (0,) * (len(shape) - 1))


def kernel(x, conv_w, conv_b, cls_token, pos_embed, in_proj_w, in_proj_b,
           out_proj_w, out_proj_b, lin1_w, lin1_b, lin2_w, lin2_b,
           ln1_w, ln1_b, ln2_w, ln2_b, score_w1, score_b1, score_w2, score_b2,
           gate_w, gate_b, ew1, eb1, ew2, eb2, ew3, eb3):
    f32 = jnp.float32
    xp = x.reshape(B, C, IMG // P, P, IMG // P, P).transpose(0, 2, 4, 1, 3, 5)
    xp = xp.reshape(B, NPATCH, C * P * P)
    wmat = conv_w.reshape(D, C * P * P)

    tokens = pl.pallas_call(
        _embed_kernel,
        grid=(B,),
        in_specs=[_batch((1, NPATCH, C * P * P)), _full((D, C * P * P)),
                  _full((1, D)), _full((NPATCH, D))],
        out_specs=_batch((1, NPATCH, D)),
        out_shape=jax.ShapeDtypeStruct((B, NPATCH, D), f32),
    )(xp, wmat, conv_b.reshape(1, D), pos_embed[0, 1:, :])

    cls_row = jnp.broadcast_to((cls_token[0, 0] + pos_embed[0, 0]).reshape(1, 1, D),
                               (B, 1, D))
    h = jnp.concatenate(
        [cls_row, tokens, jnp.zeros((B, NP - N, D), f32)], axis=1)

    layer_call = pl.pallas_call(
        _layer_kernel,
        grid=(B,),
        in_specs=[_batch((1, NP, D)), _full((3 * D, D)), _full((1, 3 * D)),
                  _full((D, D)), _full((1, D)), _full((1, D)), _full((1, D)),
                  _full((FF, D)), _full((1, FF)), _full((D, FF)), _full((1, D)),
                  _full((1, D)), _full((1, D))],
        out_specs=_batch((1, NP, D)),
        out_shape=jax.ShapeDtypeStruct((B, NP, D), f32),
    )
    for i in range(L):
        h = layer_call(h, in_proj_w[i], in_proj_b[i].reshape(1, 3 * D),
                       out_proj_w[i], out_proj_b[i].reshape(1, D),
                       ln1_w[i].reshape(1, D), ln1_b[i].reshape(1, D),
                       lin1_w[i], lin1_b[i].reshape(1, FF),
                       lin2_w[i], lin2_b[i].reshape(1, D),
                       ln2_w[i].reshape(1, D), ln2_b[i].reshape(1, D))

    patch = h[:, 1:N, :]

    selected, gates = pl.pallas_call(
        _route_kernel,
        grid=(B,),
        in_specs=[_batch((1, NPATCH, D)), _full((D // 2, D)), _full((1, D // 2)),
                  _full((1, D // 2)), _full((E, D)), _full((1, E))],
        out_specs=[_batch((1, KP, D)), _batch((1, KP, E))],
        out_shape=[jax.ShapeDtypeStruct((B, KP, D), f32),
                   jax.ShapeDtypeStruct((B, KP, E), f32)],
    )(patch, score_w1, score_b1.reshape(1, D // 2), score_w2, gate_w,
      gate_b.reshape(1, E))

    final = pl.pallas_call(
        _expert_kernel,
        grid=(B,),
        in_specs=[_batch((1, KP, D)), _batch((1, KP, E)),
                  _full((E, ED, D)), _full((E, ED)),
                  _full((E, ED, ED)), _full((E, ED)),
                  _full((E, ED, ED)), _full((E, ED))],
        out_specs=_batch((1, 1, ED)),
        out_shape=jax.ShapeDtypeStruct((B, 1, ED), f32),
    )(selected, gates, ew1, eb1, ew2, eb2, ew3, eb3)

    return final.reshape(B, ED)

# --- scband reference (transcript-rebuilt; emitter-appended) ---
"""Pipeline reference for scband-me-ovi-t-7911329759615 (READ-ONLY COPY).

The authoritative reference and input builder live on the scoring server;
editing this copy changes nothing except your own understanding.
"""

import jax, jax.numpy as jnp
import numpy as np

B = 64; C = 3; IMG = 224; P = 16; D = 384; H = 8; L = 6; FF = 1536
NPATCH = (IMG // P) ** 2
N = NPATCH + 1
E = 8; TOPK = 2; ED = 256
KEEP = int(NPATCH * 0.5)
HD = D // H

def _layer_norm(x, w, b, eps=1e-5):
    mu = jnp.mean(x, axis=-1, keepdims=True)
    var = jnp.mean((x - mu) ** 2, axis=-1, keepdims=True)
    return (x - mu) / jnp.sqrt(var + eps) * w + b

PARAM_NAMES = ['x', 'conv_w', 'conv_b', 'cls_token', 'pos_embed', 'in_proj_w', 'in_proj_b', 'out_proj_w', 'out_proj_b', 'lin1_w', 'lin1_b', 'lin2_w', 'lin2_b', 'ln1_w', 'ln1_b', 'ln2_w', 'ln2_b', 'score_w1', 'score_b1', 'score_w2', 'score_b2', 'gate_w', 'gate_b', 'ew1', 'eb1', 'ew2', 'eb2', 'ew3', 'eb3']

def setup_inputs(seed=0):
    key = jax.random.key(seed)
    ks = jax.random.split(key, 40)
    ctr = [0]
    def nxt():
        k = ks[ctr[0]]; ctr[0] += 1; return k
    def nrm(shape, s=0.02):
        return jax.random.normal(nxt(), shape, dtype=jnp.float32) * s
    inp = {}
    inp['x'] = jax.random.normal(nxt(), (B, C, IMG, IMG), dtype=jnp.float32)
    inp['conv_w'] = nrm((D, C, P, P))
    inp['conv_b'] = jnp.zeros((D,), jnp.float32)
    inp['cls_token'] = nrm((1, 1, D))
    inp['pos_embed'] = nrm((1, N, D))
    inp['in_proj_w'] = nrm((L, 3 * D, D))
    inp['in_proj_b'] = jnp.zeros((L, 3 * D), jnp.float32)
    inp['out_proj_w'] = nrm((L, D, D))
    inp['out_proj_b'] = jnp.zeros((L, D), jnp.float32)
    inp['lin1_w'] = nrm((L, FF, D))
    inp['lin1_b'] = jnp.zeros((L, FF), jnp.float32)
    inp['lin2_w'] = nrm((L, D, FF))
    inp['lin2_b'] = jnp.zeros((L, D), jnp.float32)
    inp['ln1_w'] = jnp.ones((L, D), jnp.float32)
    inp['ln1_b'] = jnp.zeros((L, D), jnp.float32)
    inp['ln2_w'] = jnp.ones((L, D), jnp.float32)
    inp['ln2_b'] = jnp.zeros((L, D), jnp.float32)
    inp['score_w1'] = nrm((D // 2, D))
    inp['score_b1'] = jnp.zeros((D // 2,), jnp.float32)
    inp['score_w2'] = nrm((1, D // 2))
    inp['score_b2'] = jnp.zeros((1,), jnp.float32)
    inp['gate_w'] = nrm((E, D))
    inp['gate_b'] = jnp.zeros((E,), jnp.float32)
    inp['ew1'] = nrm((E, ED, D))
    inp['eb1'] = jnp.zeros((E, ED), jnp.float32)
    inp['ew2'] = nrm((E, ED, ED))
    inp['eb2'] = jnp.zeros((E, ED), jnp.float32)
    inp['ew3'] = nrm((E, ED, ED))
    inp['eb3'] = jnp.zeros((E, ED), jnp.float32)
    return inp

def _forward(x, conv_w, conv_b, cls_token, pos_embed, in_proj_w, in_proj_b, out_proj_w, out_proj_b, lin1_w, lin1_b, lin2_w, lin2_b, ln1_w, ln1_b, ln2_w, ln2_b, score_w1, score_b1, score_w2, score_b2, gate_w, gate_b, ew1, eb1, ew2, eb2, ew3, eb3):
    y = jax.lax.conv_general_dilated(x, conv_w, (P, P), 'VALID', dimension_numbers=('NCHW', 'OIHW', 'NCHW'))
    y = y + conv_b[None, :, None, None]
    tokens = y.reshape(B, D, NPATCH).transpose(0, 2, 1)
    h = jnp.concatenate([jnp.broadcast_to(cls_token, (B, 1, D)), tokens], axis=1) + pos_embed
    for i in range(L):
        qkv = h @ in_proj_w[i].T + in_proj_b[i]
        q = qkv[..., :D].reshape(B, N, H, HD).transpose(0, 2, 1, 3)
        k = qkv[..., D:2 * D].reshape(B, N, H, HD).transpose(0, 2, 1, 3)
        v = qkv[..., 2 * D:].reshape(B, N, H, HD).transpose(0, 2, 1, 3)
        attn = jax.nn.softmax(q @ k.transpose(0, 1, 3, 2) / np.sqrt(HD), axis=-1)
        o = (attn @ v).transpose(0, 2, 1, 3).reshape(B, N, D)
        o = o @ out_proj_w[i].T + out_proj_b[i]
        h = _layer_norm(h + o, ln1_w[i], ln1_b[i])
        ff = jax.nn.relu(h @ lin1_w[i].T + lin1_b[i]) @ lin2_w[i].T + lin2_b[i]
        h = _layer_norm(h + ff, ln2_w[i], ln2_b[i])
    patch_only = h[:, 1:, :]
    s1 = jax.nn.relu(patch_only @ score_w1.T + score_b1)
    scores = (s1 @ score_w2.T + score_b2)[..., 0]
    _, topi = jax.lax.top_k(scores, KEEP)
    selected = jnp.take_along_axis(patch_only, topi[:, :, None], axis=1)
    gl = selected @ gate_w.T + gate_b
    tv, ti = jax.lax.top_k(gl, TOPK)
    tg = jax.nn.softmax(tv, axis=-1)
    bi = jnp.arange(B)[:, None, None]
    si = jnp.arange(KEEP)[None, :, None]
    full_gates = jnp.zeros_like(gl).at[bi, si, ti].set(tg)
    flat_x = selected.reshape(-1, D)
    flat_g = full_gates.reshape(-1, E)
    final = jnp.zeros((B, ED), jnp.float32)
    for e in range(E):
        h1 = jax.nn.gelu(flat_x @ ew1[e].T + eb1[e], approximate=False)
        h2 = jax.nn.gelu(h1 @ ew2[e].T + eb2[e], approximate=False)
        out_e = h2 @ ew3[e].T + eb3[e]
        weighted = out_e * flat_g[:, e:e + 1]
        final = final + weighted.reshape(B, KEEP, ED).sum(axis=1)
    return final

def reference(x, conv_w, conv_b, cls_token, pos_embed, in_proj_w, in_proj_b, out_proj_w, out_proj_b, lin1_w, lin1_b, lin2_w, lin2_b, ln1_w, ln1_b, ln2_w, ln2_b, score_w1, score_b1, score_w2, score_b2, gate_w, gate_b, ew1, eb1, ew2, eb2, ew3, eb3):
    return _forward(x, conv_w, conv_b, cls_token, pos_embed, in_proj_w, in_proj_b, out_proj_w, out_proj_b, lin1_w, lin1_b, lin2_w, lin2_b, ln1_w, ln1_b, ln2_w, ln2_b, score_w1, score_b1, score_w2, score_b2, gate_w, gate_b, ew1, eb1, ew2, eb2, ew3, eb3)

if __name__ == "__main__":
    import jax
    _d = setup_inputs()
    print(jax.jit(kernel)(*tuple(_d.values())))

</pallas_src>

<mosaic_0001>
module attributes {stable_mosaic.version = 14 : i64} {
  func.func @_embed_kernel(%arg0: i32, %arg1: memref<1x196x768xf32, #tpu.memory_space<vmem>>, %arg2: memref<384x768xf32, #tpu.memory_space<vmem>>, %arg3: memref<1x384xf32, #tpu.memory_space<vmem>>, %arg4: memref<196x384xf32, #tpu.memory_space<vmem>>, %arg5: memref<1x196x384xf32, #tpu.memory_space<vmem>>) attributes {dimension_semantics = [#tpu.dimension_semantics<arbitrary>], iteration_bounds = array<i64: 64>, scalar_prefetch = 0 : i64, scratch_operands = 0 : i64, tpu.core_type = #tpu.core_type<tc>, window_params = [{transform_indices = @transform_0, window_bounds = array<i64: 1, 196, 768>}, {pipeline_mode = #tpu.pipeline_mode<synchronous>, transform_indices = @transform_1, window_bounds = array<i64: 384, 768>}, {pipeline_mode = #tpu.pipeline_mode<synchronous>, transform_indices = @transform_2, window_bounds = array<i64: 1, 384>}, {pipeline_mode = #tpu.pipeline_mode<synchronous>, transform_indices = @transform_3, window_bounds = array<i64: 196, 384>}, {transform_indices = @transform_4, window_bounds = array<i64: 1, 196, 384>}]} {
    %get3A = arith.constant 0 : index
    %get3A_0 = arith.constant 0 : index
    %get3A_1 = arith.constant 0 : index
    %get3A_2 = vector.load %arg1[%get3A, %get3A_0, %get3A_1] : memref<1x196x768xf32, #tpu.memory_space<vmem>>, vector<1x196x768xf32>
    %get3A_3 = vector.shape_cast %get3A_2 : vector<1x196x768xf32> to vector<196x768xf32>
    %get3A_4 = arith.constant 0 : index
    %get3A_5 = arith.constant 0 : index
    %get3A_6 = vector.load %arg2[%get3A_4, %get3A_5] : memref<384x768xf32, #tpu.memory_space<vmem>>, vector<384x768xf32>
    %dot_general3A = arith.constant dense<0.000000e+00> : vector<196x384xf32>
    %dot_general3A_7 = tpu.matmul %get3A_3, %get3A_6, %dot_general3A {dimension_numbers = #tpu.dot_dimension_numbers<[1], [1], [0], [0], [0, 0, 1, 0], [], []>, transpose_lhs_hint = false} : vector<196x768xf32>, vector<384x768xf32>, vector<196x384xf32> -> vector<196x384xf32>
    %get3A_8 = arith.constant 0 : index
    %get3A_9 = arith.constant 0 : index
    %get3A_10 = vector.load %arg3[%get3A_8, %get3A_9] : memref<1x384xf32, #tpu.memory_space<vmem>>, vector<1x384xf32>
    %add3A = vector.broadcast %get3A_10 : vector<1x384xf32> to vector<196x384xf32>
    %add3A_11 = arith.addf %dot_general3A_7, %add3A : vector<196x384xf32>
    %get3A_12 = arith.constant 0 : index
    %get3A_13 = arith.constant 0 : index
    %get3A_14 = vector.load %arg4[%get3A_12, %get3A_13] : memref<196x384xf32, #tpu.memory_space<vmem>>, vector<196x384xf32>
    %add3A_15 = arith.addf %add3A_11, %get3A_14 : vector<196x384xf32>
    %swap3A = arith.constant 0 : index
    %swap3A_16 = arith.constant 0 : index
    %swap3A_17 = arith.constant 0 : index
    %swap3A_18 = vector.load %arg5[%swap3A, %swap3A_16, %swap3A_17] : memref<1x196x384xf32, #tpu.memory_space<vmem>>, vector<1x196x384xf32>
    %swap3A_19 = vector.shape_cast %swap3A_18 : vector<1x196x384xf32> to vector<196x384xf32>
    %swap3A_20 = vector.shape_cast %add3A_15 : vector<196x384xf32> to vector<1x196x384xf32>
    tpu.vector_store %arg5[%swap3A, %swap3A_16, %swap3A_17], %swap3A_20 {strides = array<i32>} : memref<1x196x384xf32, #tpu.memory_space<vmem>>, vector<1x196x384xf32>,
    return
  }
  func.func @transform_0(%arg0: i32) -> (i32, i32, i32) {
    %c0_i32 = arith.constant 0 : i32
    %c0_i32_0 = arith.constant 0 : i32
    %c0_i32_1 = arith.constant 0 : i32
    return %arg0, %c0_i32, %c0_i32_0 : i32, i32, i32
  }
  func.func @transform_1(%arg0: i32) -> (i32, i32) {
    %c0_i32 = arith.constant 0 : i32
    %c0_i32_0 = arith.constant 0 : i32
    %c0_i32_1 = arith.constant 0 : i32
    return %c0_i32, %c0_i32_0 : i32, i32
  }
  func.func @transform_2(%arg0: i32) -> (i32, i32) {
    %c0_i32 = arith.constant 0 : i32
    %c0_i32_0 = arith.constant 0 : i32
    %c0_i32_1 = arith.constant 0 : i32
    return %c0_i32, %c0_i32_0 : i32, i32
  }
  func.func @transform_3(%arg0: i32) -> (i32, i32) {
    %c0_i32 = arith.constant 0 : i32
    %c0_i32_0 = arith.constant 0 : i32
    %c0_i32_1 = arith.constant 0 : i32
    return %c0_i32, %c0_i32_0 : i32, i32
  }
  func.func @transform_4(%arg0: i32) -> (i32, i32, i32) {
    %c0_i32 = arith.constant 0 : i32
    %c0_i32_0 = arith.constant 0 : i32
    %c0_i32_1 = arith.constant 0 : i32
    return %arg0, %c0_i32, %c0_i32_0 : i32, i32, i32
  }
}

module attributes {stable_mosaic.version = 14 : i64} {
  func.func @_layer_kernel(%arg0: i32, %arg1: memref<1x208x384xf32, #tpu.memory_space<vmem>>, %arg2: memref<1152x384xf32, #tpu.memory_space<vmem>>, %arg3: memref<1x1152xf32, #tpu.memory_space<vmem>>, %arg4: memref<384x384xf32, #tpu.memory_space<vmem>>, %arg5: memref<1x384xf32, #tpu.memory_space<vmem>>, %arg6: memref<1x384xf32, #tpu.memory_space<vmem>>, %arg7: memref<1x384xf32, #tpu.memory_space<vmem>>, %arg8: memref<1536x384xf32, #tpu.memory_space<vmem>>, %arg9: memref<1x1536xf32, #tpu.memory_space<vmem>>, %arg10: memref<384x1536xf32, #tpu.memory_space<vmem>>, %arg11: memref<1x384xf32, #tpu.memory_space<vmem>>, %arg12: memref<1x384xf32, #tpu.memory_space<vmem>>, %arg13: memref<1x384xf32, #tpu.memory_space<vmem>>, %arg14: memref<1x208x384xf32, #tpu.memory_space<vmem>>) attributes {dimension_semantics = [#tpu.dimension_semantics<arbitrary>], iteration_bounds = array<i64: 64>, scalar_prefetch = 0 : i64, scratch_operands = 0 : i64, tpu.core_type = #tpu.core_type<tc>, window_params = [{transform_indices = @transform_0, window_bounds = array<i64: 1, 208, 384>}, {pipeline_mode = #tpu.pipeline_mode<synchronous>, transform_indices = @transform_1, window_bounds = array<i64: 1152, 384>}, {pipeline_mode = #tpu.pipeline_mode<synchronous>, transform_indices = @transform_2, window_bounds = array<i64: 1, 1152>}, {pipeline_mode = #tpu.pipeline_mode<synchronous>, transform_indices = @transform_3, window_bounds = array<i64: 384, 384>}, {pipeline_mode = #tpu.pipeline_mode<synchronous>, transform_indices = @transform_4, window_bounds = array<i64: 1, 384>}, {pipeline_mode = #tpu.pipeline_mode<synchronous>, transform_indices = @transform_5, window_bounds = array<i64: 1, 384>}, {pipeline_mode = #tpu.pipeline_mode<synchronous>, transform_indices = @transform_6, window_bounds = array<i64: 1, 384>}, {pipeline_mode = #tpu.pipeline_mode<synchronous>, transform_indices = @transform_7, window_bounds = array<i64: 1536, 384>}, {pipeline_mode = #tpu.pipeline_mode<synchronous>, transform_indices = @transform_8, window_bounds = array<i64: 1, 1536>}, {pipeline_mode = #tpu.pipeline_mode<synchronous>, transform_indices = @transform_9, window_bounds = array<i64: 384, 1536>}, {pipeline_mode = #tpu.pipeline_mode<synchronous>, transform_indices = @transform_10, window_bounds = array<i64: 1, 384>}, {pipeline_mode = #tpu.pipeline_mode<synchronous>, transform_indices = @transform_11, window_bounds = array<i64: 1, 384>}, {pipeline_mode = #tpu.pipeline_mode<synchronous>, transform_indices = @transform_12, window_bounds = array<i64: 1, 384>}, {transform_indices = @transform_13, window_bounds = array<i64: 1, 208, 384>}]} {
    %get3A = arith.constant 0 : index
    %get3A_0 = arith.constant 0 : index
    %get3A_1 = arith.constant 0 : index
    %get3A_2 = vector.load %arg1[%get3A, %get3A_0, %get3A_1] : memref<1x208x384xf32, #tpu.memory_space<vmem>>, vector<1x208x384xf32>
    %get3A_3 = vector.shape_cast %get3A_2 : vector<1x208x384xf32> to vector<208x384xf32>
    %get3A_4 = arith.constant 0 : index
    %get3A_5 = arith.constant 0 : index
    %get3A_6 = vector.load %arg2[%get3A_4, %get3A_5] : memref<1152x384xf32, #tpu.memory_space<vmem>>, vector<1152x384xf32>
    %dot_general3A = arith.constant dense<0.000000e+00> : vector<208x1152xf32>
    %dot_general3A_7 = tpu.matmul %get3A_3, %get3A_6, %dot_general3A {dimension_numbers = #tpu.dot_dimension_numbers<[1], [1], [0], [0], [0, 0, 1, 0], [], []>, transpose_lhs_hint = false} : vector<208x384xf32>, vector<1152x384xf32>, vector<208x1152xf32> -> vector<208x1152xf32>
    %get3A_8 = arith.constant 0 : index
    %get3A_9 = arith.constant 0 : index
    %get3A_10 = vector.load %arg3[%get3A_8, %get3A_9] : memref<1x1152xf32, #tpu.memory_space<vmem>>, vector<1x1152xf32>
    %add3A = vector.broadcast %get3A_10 : vector<1x1152xf32> to vector<208x1152xf32>
    %add3A_11 = arith.addf %dot_general3A_7, %add3A : vector<208x1152xf32>
    %iota3A = tpu.iota {dimensions = array<i32: 1>} : vector<208x208xi32>
    %lt3A = arith.constant 197 : i32
    %lt3A_12 = vector.broadcast %lt3A : i32 to vector<208x208xi32>
    %lt3A_13 = arith.cmpi slt, %iota3A, %lt3A_12 : vector<208x208xi32>
    %slice3A = vector.extract_strided_slice %add3A_11 {offsets = [0, 0], sizes = [208, 48], strides = [1, 1]} : vector<208x1152xf32> to vector<208x48xf32>
    %slice3A_14 = vector.extract_strided_slice %add3A_11 {offsets = [0, 384], sizes = [208, 48], strides = [1, 1]} : vector<208x1152xf32> to vector<208x48xf32>
    %slice3A_15 = vector.extract_strided_slice %add3A_11 {offsets = [0, 768], sizes = [208, 48], strides = [1, 1]} : vector<208x1152xf32> to vector<208x48xf32>
    %dot_general3A_16 = arith.constant dense<0.000000e+00> : vector<208x208xf32>
    %dot_general3A_17 = tpu.matmul %slice3A, %slice3A_14, %dot_general3A_16 {dimension_numbers = #tpu.dot_dimension_numbers<[1], [1], [0], [0], [0, 0, 1, 0], [], []>, transpose_lhs_hint = false} : vector<208x48xf32>, vector<208x48xf32>, vector<208x208xf32> -> vector<208x208xf32>
    %div3A = arith.constant 6.92820311 : f32
    %div3A_18 = vector.broadcast %div3A : f32 to vector<208x208xf32>
    %div3A_19 = arith.divf %dot_general3A_17, %div3A_18 : vector<208x208xf32>
    %jit3A = arith.constant -1.000000e+30 : f32
    %broadcast_in_dim3A = vector.broadcast %jit3A : f32 to vector<208x208xf32>
    %select_n3A = arith.select %lt3A_13, %div3A_19, %broadcast_in_dim3A : vector<208x208xi1>, vector<208x208xf32>
    %reduce_max3A = arith.constant dense<0xFF800000> : vector<208xf32>
    %reduce_max3A_20 = vector.multi_reduction <maximumf>, %select_n3A, %reduce_max3A [1] : vector<208x208xf32> to vector<208xf32>
    %broadcast_in_dim3A_21 = vector.shape_cast %reduce_max3A_20 : vector<208xf32> to vector<208x1xf32>
    %sub3A = vector.broadcast %broadcast_in_dim3A_21 : vector<208x1xf32> to vector<208x208xf32>
    %sub3A_22 = arith.subf %select_n3A, %sub3A : vector<208x208xf32>
    %exp3A = math.exp %sub3A_22 : vector<208x208xf32>
    %broadcast_in_dim3A_23 = arith.constant 0.000000e+00 : f32
    %broadcast_in_dim3A_24 = vector.broadcast %broadcast_in_dim3A_23 : f32 to vector<208x48xf32>
    %concatenate3A = tpu.concatenate %exp3A, %broadcast_in_dim3A_24 in 1 : vector<208x208xf32>, vector<208x48xf32> -> vector<208x256xf32>
    %slice3A_25 = vector.extract_strided_slice %concatenate3A {offsets = [0, 0], sizes = [208, 128], strides = [1, 1]} : vector<208x256xf32> to vector<208x128xf32>
    %slice3A_26 = vector.extract_strided_slice %concatenate3A {offsets = [0, 128], sizes = [208, 128], strides = [1, 1]} : vector<208x256xf32> to vector<208x128xf32>
    %add3A_27 = arith.addf %slice3A_25, %slice3A_26 : vector<208x128xf32>
    %roll3A = arith.constant 127 : i32
    %roll3A_28 = tpu.dynamic_rotate %add3A_27 by %roll3A dim 1 : vector<208x128xf32>, i32 -> vector<208x128xf32>
    %add3A_29 = arith.addf %add3A_27, %roll3A_28 : vector<208x128xf32>
    %roll3A_30 = arith.constant 126 : i32
    %roll3A_31 = tpu.dynamic_rotate %add3A_29 by %roll3A_30 dim 1 : vector<208x128xf32>, i32 -> vector<208x128xf32>
    %add3A_32 = arith.addf %add3A_29, %roll3A_31 : vector<208x128xf32>
    %roll3A_33 = arith.constant 124 : i32
    %roll3A_34 = tpu.dynamic_rotate %add3A_32 by %roll3A_33 dim 1 : vector<208x128xf32>, i32 -> vector<208x128xf32>
    %add3A_35 = arith.addf %add3A_32, %roll3A_34 : vector<208x128xf32>
    %slice3A_36 = vector.extract_strided_slice %add3A_35 {offsets = [0, 0], sizes = [208, 8], strides = [1, 1]} : vector<208x128xf32> to vector<208x8xf32>
    %slice3A_37 = vector.extract_strided_slice %add3A_35 {offsets = [0, 8], sizes = [208, 8], strides = [1, 1]} : vector<208x128xf32> to vector<208x8xf32>
    %add3A_38 = arith.addf %slice3A_36, %slice3A_37 : vector<208x8xf32>
    %slice3A_39 = vector.extract_strided_slice %add3A_35 {offsets = [0, 16], sizes = [208, 8], strides = [1, 1]} : vector<208x128xf32> to vector<208x8xf32>
    %add3A_40 = arith.addf %add3A_38, %slice3A_39 : vector<208x8xf32>
    %slice3A_41 = vector.extract_strided_slice %add3A_35 {offsets = [0, 24], sizes = [208, 8], strides = [1, 1]} : vector<208x128xf32> to vector<208x8xf32>
    %add3A_42 = arith.addf %add3A_40, %slice3A_41 : vector<208x8xf32>
    %slice3A_43 = vector.extract_strided_slice %add3A_35 {offsets = [0, 32], sizes = [208, 8], strides = [1, 1]} : vector<208x128xf32> to vector<208x8xf32>
    %add3A_44 = arith.addf %add3A_42, %slice3A_43 : vector<208x8xf32>
    %slice3A_45 = vector.extract_strided_slice %add3A_35 {offsets = [0, 40], sizes = [208, 8], strides = [1, 1]} : vector<208x128xf32> to vector<208x8xf32>
    %add3A_46 = arith.addf %add3A_44, %slice3A_45 : vector<208x8xf32>
    %slice3A_47 = vector.extract_strided_slice %add3A_35 {offsets = [0, 48], sizes = [208, 8], strides = [1, 1]} : vector<208x128xf32> to vector<208x8xf32>
    %add3A_48 = arith.addf %add3A_46, %slice3A_47 : vector<208x8xf32>
    %slice3A_49 = vector.extract_strided_slice %add3A_35 {offsets = [0, 56], sizes = [208, 8], strides = [1, 1]} : vector<208x128xf32> to vector<208x8xf32>
    %add3A_50 = arith.addf %add3A_48, %slice3A_49 : vector<208x8xf32>
    %slice3A_51 = vector.extract_strided_slice %add3A_35 {offsets = [0, 64], sizes = [208, 8], strides = [1, 1]} : vector<208x128xf32> to vector<208x8xf32>
    %add3A_52 = arith.addf %add3A_50, %slice3A_51 : vector<208x8xf32>
    %slice3A_53 = vector.extract_strided_slice %add3A_35 {offsets = [0, 72], sizes = [208, 8], strides = [1, 1]} : vector<208x128xf32> to vector<208x8xf32>
    %add3A_54 = arith.addf %add3A_52, %slice3A_53 : vector<208x8xf32>
    %slice3A_55 = vector.extract_strided_slice %add3A_35 {offsets = [0, 80], sizes = [208, 8], strides = [1, 1]} : vector<208x128xf32> to vector<208x8xf32>
    %add3A_56 = arith.addf %add3A_54, %slice3A_55 : vector<208x8xf32>
    %slice3A_57 = vector.extract_strided_slice %add3A_35 {offsets = [0, 88], sizes = [208, 8], strides = [1, 1]} : vector<208x128xf32> to vector<208x8xf32>
    %add3A_58 = arith.addf %add3A_56, %slice3A_57 : vector<208x8xf32>
    %slice3A_59 = vector.extract_strided_slice %add3A_35 {offsets = [0, 96], sizes = [208, 8], strides = [1, 1]} : vector<208x128xf32> to vector<208x8xf32>
    %add3A_60 = arith.addf %add3A_58, %slice3A_59 : vector<208x8xf32>
    %slice3A_61 = vector.extract_strided_slice %add3A_35 {offsets = [0, 104], sizes = [208, 8], strides = [1, 1]} : vector<208x128xf32> to vector<208x8xf32>
    %add3A_62 = arith.addf %add3A_60, %slice3A_61 : vector<208x8xf32>
    %slice3A_63 = vector.extract_strided_slice %add3A_35 {offsets = [0, 112], sizes = [208, 8], strides = [1, 1]} : vector<208x128xf32> to vector<208x8xf32>
    %add3A_64 = arith.addf %add3A_62, %slice3A_63 : vector<208x8xf32>
    %slice3A_65 = vector.extract_strided_slice %add3A_35 {offsets = [0, 120], sizes = [208, 8], strides = [1, 1]} : vector<208x128xf32> to vector<208x8xf32>
    %add3A_66 = arith.addf %add3A_64, %slice3A_65 : vector<208x8xf32>
    %slice3A_67 = vector.extract_strided_slice %add3A_66 {offsets = [0, 0], sizes = [208, 1], strides = [1, 1]} : vector<208x8xf32> to vector<208x1xf32>
    %div3A_68 = vector.broadcast %slice3A_67 : vector<208x1xf32> to vector<208x208xf32>
    %div3A_69 = arith.divf %exp3A, %div3A_68 : vector<208x208xf32>
    %dot_general3A_70 = arith.constant dense<0.000000e+00> : vector<208x48xf32>
    %dot_general3A_71 = tpu.matmul %div3A_69, %slice3A_15, %dot_general3A_70 {dimension_numbers = #tpu.dot_dimension_numbers<[1], [0], [0], [1], [0, 0, 1, 1], [], []>, transpose_lhs_hint = false} : vector<208x208xf32>, vector<208x48xf32>, vector<208x48xf32> -> vector<208x48xf32>
    %slice3A_72 = vector.extract_strided_slice %add3A_11 {offsets = [0, 48], sizes = [208, 48], strides = [1, 1]} : vector<208x1152xf32> to vector<208x48xf32>
    %slice3A_73 = vector.extract_strided_slice %add3A_11 {offsets = [0, 432], sizes = [208, 48], strides = [1, 1]} : vector<208x1152xf32> to vector<208x48xf32>
    %slice3A_74 = vector.extract_strided_slice %add3A_11 {offsets = [0, 816], sizes = [208, 48], strides = [1, 1]} : vector<208x1152xf32> to vector<208x48xf32>
    %dot_general3A_75 = arith.constant dense<0.000000e+00> : vector<208x208xf32>
    %dot_general3A_76 = tpu.matmul %slice3A_72, %slice3A_73, %dot_general3A_75 {dimension_numbers = #tpu.dot_dimension_numbers<[1], [1], [0], [0], [0, 0, 1, 0], [], []>, transpose_lhs_hint = false} : vector<208x48xf32>, vector<208x48xf32>, vector<208x208xf32> -> vector<208x208xf32>
    %div3A_77 = arith.constant 6.92820311 : f32
    %div3A_78 = vector.broadcast %div3A_77 : f32 to vector<208x208xf32>
    %div3A_79 = arith.divf %dot_general3A_76, %div3A_78 : vector<208x208xf32>
    %jit3A_80 = arith.constant -1.000000e+30 : f32
    %broadcast_in_dim3A_81 = vector.broadcast %jit3A_80 : f32 to vector<208x208xf32>
    %select_n3A_82 = arith.select %lt3A_13, %div3A_79, %broadcast_in_dim3A_81 : vector<208x208xi1>, vector<208x208xf32>
    %reduce_max3A_83 = arith.constant dense<0xFF800000> : vector<208xf32>
    %reduce_max3A_84 = vector.multi_reduction <maximumf>, %select_n3A_82, %reduce_max3A_83 [1] : vector<208x208xf32> to vector<208xf32>
    %broadcast_in_dim3A_85 = vector.shape_cast %reduce_max3A_84 : vector<208xf32> to vector<208x1xf32>
    %sub3A_86 = vector.broadcast %broadcast_in_dim3A_85 : vector<208x1xf32> to vector<208x208xf32>
    %sub3A_87 = arith.subf %select_n3A_82, %sub3A_86 : vector<208x208xf32>
    %exp3A_88 = math.exp %sub3A_87 : vector<208x208xf32>
    %broadcast_in_dim3A_89 = arith.constant 0.000000e+00 : f32
    %broadcast_in_dim3A_90 = vector.broadcast %broadcast_in_dim3A_89 : f32 to vector<208x48xf32>
    %concatenate3A_91 = tpu.concatenate %exp3A_88, %broadcast_in_dim3A_90 in 1 : vector<208x208xf32>, vector<208x48xf32> -> vector<208x256xf32>
    %slice3A_92 = vector.extract_strided_slice %concatenate3A_91 {offsets = [0, 0], sizes = [208, 128], strides = [1, 1]} : vector<208x256xf32> to vector<208x128xf32>
    %slice3A_93 = vector.extract_strided_slice %concatenate3A_91 {offsets = [0, 128], sizes = [208, 128], strides = [1, 1]} : vector<208x256xf32> to vector<208x128xf32>
    %add3A_94 = arith.addf %slice3A_92, %slice3A_93 : vector<208x128xf32>
    %roll3A_95 = arith.constant 127 : i32
    %roll3A_96 = tpu.dynamic_rotate %add3A_94 by %roll3A_95 dim 1 : vector<208x128xf32>, i32 -> vector<208x128xf32>
    %add3A_97 = arith.addf %add3A_94, %roll3A_96 : vector<208x128xf32>
    %roll3A_98 = arith.constant 126 : i32
    %roll3A_99 = tpu.dynamic_rotate %add3A_97 by %roll3A_98 dim 1 : vector<208x128xf32>, i32 -> vector<208x128xf32>
    %add3A_100 = arith.addf %add3A_97, %roll3A_99 : vector<208x128xf32>
    %roll3A_101 = arith.constant 124 : i32
    %roll3A_102 = tpu.dynamic_rotate %add3A_100 by %roll3A_101 dim 1 : vector<208x128xf32>, i32 -> vector<208x128xf32>
    %add3A_103 = arith.addf %add3A_100, %roll3A_102 : vector<208x128xf32>
    %slice3A_104 = vector.extract_strided_slice %add3A_103 {offsets = [0, 0], sizes = [208, 8], strides = [1, 1]} : vector<208x128xf32> to vector<208x8xf32>
    %slice3A_105 = vector.extract_strided_slice %add3A_103 {offsets = [0, 8], sizes = [208, 8], strides = [1, 1]} : vector<208x128xf32> to vector<208x8xf32>
    %add3A_106 = arith.addf %slice3A_104, %slice3A_105 : vector<208x8xf32>
    %slice3A_107 = vector.extract_strided_slice %add3A_103 {offsets = [0, 16], sizes = [208, 8], strides = [1, 1]} : vector<208x128xf32> to vector<208x8xf32>
    %add3A_108 = arith.addf %add3A_106, %slice3A_107 : vector<208x8xf32>
    %slice3A_109 = vector.extract_strided_slice %add3A_103 {offsets = [0, 24], sizes = [208, 8], strides = [1, 1]} : vector<208x128xf32> to vector<208x8xf32>
    %add3A_110 = arith.addf %add3A_108, %slice3A_109 : vector<208x8xf32>
    %slice3A_111 = vector.extract_strided_slice %add3A_103 {offsets = [0, 32], sizes = [208, 8], strides = [1, 1]} : vector<208x128xf32> to vector<208x8xf32>
    %add3A_112 = arith.addf %add3A_110, %slice3A_111 : vector<208x8xf32>
    %slice3A_113 = vector.extract_strided_slice %add3A_103 {offsets = [0, 40], sizes = [208, 8], strides = [1, 1]} : vector<208x128xf32> to vector<208x8xf32>
    %add3A_114 = arith.addf %add3A_112, %slice3A_113 : vector<208x8xf32>
    %slice3A_115 = vector.extract_strided_slice %add3A_103 {offsets = [0, 48], sizes = [208, 8], strides = [1, 1]} : vector<208x128xf32> to vector<208x8xf32>
    %add3A_116 = arith.addf %add3A_114, %slice3A_115 : vector<208x8xf32>
    %slice3A_117 = vector.extract_strided_slice %add3A_103 {offsets = [0, 56], sizes = [208, 8], strides = [1, 1]} : vector<208x128xf32> to vector<208x8xf32>
    %add3A_118 = arith.addf %add3A_116, %slice3A_117 : vector<208x8xf32>
    %slice3A_119 = vector.extract_strided_slice %add3A_103 {offsets = [0, 64], sizes = [208, 8], strides = [1, 1]} : vector<208x128xf32> to vector<208x8xf32>
    %add3A_120 = arith.addf %add3A_118, %slice3A_119 : vector<208x8xf32>
    %slice3A_121 = vector.extract_strided_slice %add3A_103 {offsets = [0, 72], sizes = [208, 8], strides = [1, 1]} : vector<208x128xf32> to vector<208x8xf32>
    %add3A_122 = arith.addf %add3A_120, %slice3A_121 : vector<208x8xf32>
    %slice3A_123 = vector.extract_strided_slice %add3A_103 {offsets = [0, 80], sizes = [208, 8], strides = [1, 1]} : vector<208x128xf32> to vector<208x8xf32>
    %add3A_124 = arith.addf %add3A_122, %slice3A_123 : vector<208x8xf32>
    %slice3A_125 = vector.extract_strided_slice %add3A_103 {offsets = [0, 88], sizes = [208, 8], strides = [1, 1]} : vector<208x128xf32> to vector<208x8xf32>
    %add3A_126 = arith.addf %add3A_124, %slice3A_125 : vector<208x8xf32>
    %slice3A_127 = vector.extract_strided_slice %add3A_103 {offsets = [0, 96], sizes = [208, 8], strides = [1, 1]} : vector<208x128xf32> to vector<208x8xf32>
    %add3A_128 = arith.addf %add3A_126, %slice3A_127 : vector<208x8xf32>
    %slice3A_129 = vector.extract_strided_slice %add3A_103 {offsets = [0, 104], sizes = [208, 8], strides = [1, 1]} : vector<208x128xf32> to vector<208x8xf32>
    %add3A_130 = arith.addf %add3A_128, %slice3A_129 : vector<208x8xf32>
    %slice3A_131 = vector.extract_strided_slice %add3A_103 {offsets = [0, 112], sizes = [208, 8], strides = [1, 1]} : vector<208x128xf32> to vector<208x8xf32>
    %add3A_132 = arith.addf %add3A_130, %slice3A_131 : vector<208x8xf32>
    %slice3A_133 = vector.extract_strided_slice %add3A_103 {offsets = [0, 120], sizes = [208, 8], strides = [1, 1]} : vector<208x128xf32> to vector<208x8xf32>
    %add3A_134 = arith.addf %add3A_132, %slice3A_133 : vector<208x8xf32>
    %slice3A_135 = vector.extract_strided_slice %add3A_134 {offsets = [0, 0], sizes = [208, 1], strides = [1, 1]} : vector<208x8xf32> to vector<208x1xf32>
    %div3A_136 = vector.broadcast %slice3A_135 : vector<208x1xf32> to vector<208x208xf32>
    %div3A_137 = arith.divf %exp3A_88, %div3A_136 : vector<208x208xf32>
    %dot_general3A_138 = arith.constant dense<0.000000e+00> : vector<208x48xf32>
    %dot_general3A_139 = tpu.matmul %div3A_137, %slice3A_74, %dot_general3A_138 {dimension_numbers = #tpu.dot_dimension_numbers<[1], [0], [0], [1], [0, 0, 1, 1], [], []>, transpose_lhs_hint = false} : vector<208x208xf32>, vector<208x48xf32>, vector<208x48xf32> -> vector<208x48xf32>
    %slice3A_140 = vector.extract_strided_slice %add3A_11 {offsets = [0, 96], sizes = [208, 48], strides = [1, 1]} : vector<208x1152xf32> to vector<208x48xf32>
    %slice3A_141 = vector.extract_strided_slice %add3A_11 {offsets = [0, 480], sizes = [208, 48], strides = [1, 1]} : vector<208x1152xf32> to vector<208x48xf32>
    %slice3A_142 = vector.extract_strided_slice %add3A_11 {offsets = [0, 864], sizes = [208, 48], strides = [1, 1]} : vector<208x1152xf32> to vector<208x48xf32>
    %dot_general3A_143 = arith.constant dense<0.000000e+00> : vector<208x208xf32>
    %dot_general3A_144 = tpu.matmul %slice3A_140, %slice3A_141, %dot_general3A_143 {dimension_numbers = #tpu.dot_dimension_numbers<[1], [1], [0], [0], [0, 0, 1, 0], [], []>, transpose_lhs_hint = false} : vector<208x48xf32>, vector<208x48xf32>, vector<208x208xf32> -> vector<208x208xf32>
    %div3A_145 = arith.constant 6.92820311 : f32
    %div3A_146 = vector.broadcast %div3A_145 : f32 to vector<208x208xf32>
    %div3A_147 = arith.divf %dot_general3A_144, %div3A_146 : vector<208x208xf32>
    %jit3A_148 = arith.constant -1.000000e+30 : f32
    %broadcast_in_dim3A_149 = vector.broadcast %jit3A_148 : f32 to vector<208x208xf32>
    %select_n3A_150 = arith.select %lt3A_13, %div3A_147, %broadcast_in_dim3A_149 : vector<208x208xi1>, vector<208x208xf32>
    %reduce_max3A_151 = arith.constant dense<0xFF800000> : vector<208xf32>
    %reduce_max3A_152 = vector.multi_reduction <maximumf>, %select_n3A_150, %reduce_max3A_151 [1] : vector<208x208xf32> to vector<208xf32>
    %broadcast_in_dim3A_153 = vector.shape_cast %reduce_max3A_152 : vector<208xf32> to vector<208x1xf32>
    %sub3A_154 = vector.broadcast %broadcast_in_dim3A_153 : vector<208x1xf32> to vector<208x208xf32>
    %sub3A_155 = arith.subf %select_n3A_150, %sub3A_154 : vector<208x208xf32>
    %exp3A_156 = math.exp %sub3A_155 : vector<208x208xf32>
    %broadcast_in_dim3A_157 = arith.constant 0.000000e+00 : f32
    %broadcast_in_dim3A_158 = vector.broadcast %broadcast_in_dim3A_157 : f32 to vector<208x48xf32>
    %concatenate3A_159 = tpu.concatenate %exp3A_156, %broadcast_in_dim3A_158 in 1 : vector<208x208xf32>, vector<208x48xf32> -> vector<208x256xf32>
    %slice3A_160 = vector.extract_strided_slice %concatenate3A_159 {offsets = [0, 0], sizes = [208, 128], strides = [1, 1]} : vector<208x256xf32> to vector<208x128xf32>
    %slice3A_161 = vector.extract_strided_slice %concatenate3A_159 {offsets = [0, 128], sizes = [208, 128], strides = [1, 1]} : vector<208x256xf32> to vector<208x128xf32>
    %add3A_162 = arith.addf %slice3A_160, %slice3A_161 : vector<208x128xf32>
    %roll3A_163 = arith.constant 127 : i32
    %roll3A_164 = tpu.dynamic_rotate %add3A_162 by %roll3A_163 dim 1 : vector<208x128xf32>, i32 -> vector<208x128xf32>
    %add3A_165 = arith.addf %add3A_162, %roll3A_164 : vector<208x128xf32>
    %roll3A_166 = arith.constant 126 : i32
    %roll3A_167 = tpu.dynamic_rotate %add3A_165 by %roll3A_166 dim 1 : vector<208x128xf32>, i32 -> vector<208x128xf32>
    %add3A_168 = arith.addf %add3A_165, %roll3A_167 : vector<208x128xf32>
    %roll3A_169 = arith.constant 124 : i32
    %roll3A_170 = tpu.dynamic_rotate %add3A_168 by %roll3A_169 dim 1 : vector<208x128xf32>, i32 -> vector<208x128xf32>
    %add3A_171 = arith.addf %add3A_168, %roll3A_170 : vector<208x128xf32>
    %slice3A_172 = vector.extract_strided_slice %add3A_171 {offsets = [0, 0], sizes = [208, 8], strides = [1, 1]} : vector<208x128xf32> to vector<208x8xf32>
    %slice3A_173 = vector.extract_strided_slice %add3A_171 {offsets = [0, 8], sizes = [208, 8], strides = [1, 1]} : vector<208x128xf32> to vector<208x8xf32>
    %add3A_174 = arith.addf %slice3A_172, %slice3A_173 : vector<208x8xf32>
    %slice3A_175 = vector.extract_strided_slice %add3A_171 {offsets = [0, 16], sizes = [208, 8], strides = [1, 1]} : vector<208x128xf32> to vector<208x8xf32>
    %add3A_176 = arith.addf %add3A_174, %slice3A_175 : vector<208x8xf32>
    %slice3A_177 = vector.extract_strided_slice %add3A_171 {offsets = [0, 24], sizes = [208, 8], strides = [1, 1]} : vector<208x128xf32> to vector<208x8xf32>
    %add3A_178 = arith.addf %add3A_176, %slice3A_177 : vector<208x8xf32>
    %slice3A_179 = vector.extract_strided_slice %add3A_171 {offsets = [0, 32], sizes = [208, 8], strides = [1, 1]} : vector<208x128xf32> to vector<208x8xf32>
    %add3A_180 = arith.addf %add3A_178, %slice3A_179 : vector<208x8xf32>
    %slice3A_181 = vector.extract_strided_slice %add3A_171 {offsets = [0, 40], sizes = [208, 8], strides = [1, 1]} : vector<208x128xf32> to vector<208x8xf32>
    %add3A_182 = arith.addf %add3A_180, %slice3A_181 : vector<208x8xf32>
    %slice3A_183 = vector.extract_strided_slice %add3A_171 {offsets = [0, 48], sizes = [208, 8], strides = [1, 1]} : vector<208x128xf32> to vector<208x8xf32>
    %add3A_184 = arith.addf %add3A_182, %slice3A_183 : vector<208x8xf32>
    %slice3A_185 = vector.extract_strided_slice %add3A_171 {offsets = [0, 56], sizes = [208, 8], strides = [1, 1]} : vector<208x128xf32> to vector<208x8xf32>
    %add3A_186 = arith.addf %add3A_184, %slice3A_185 : vector<208x8xf32>
    %slice3A_187 = vector.extract_strided_slice %add3A_171 {offsets = [0, 64], sizes = [208, 8], strides = [1, 1]} : vector<208x128xf32> to vector<208x8xf32>
    %add3A_188 = arith.addf %add3A_186, %slice3A_187 : vector<208x8xf32>
    %slice3A_189 = vector.extract_strided_slice %add3A_171 {offsets = [0, 72], sizes = [208, 8], strides = [1, 1]} : vector<208x128xf32> to vector<208x8xf32>
    %add3A_190 = arith.addf %add3A_188, %slice3A_189 : vector<208x8xf32>
    %slice3A_191 = vector.extract_strided_slice %add3A_171 {offsets = [0, 80], sizes = [208, 8], strides = [1, 1]} : vector<208x128xf32> to vector<208x8xf32>
    %add3A_192 = arith.addf %add3A_190, %slice3A_191 : vector<208x8xf32>
    %slice3A_193 = vector.extract_strided_slice %add3A_171 {offsets = [0, 88], sizes = [208, 8], strides = [1, 1]} : vector<208x128xf32> to vector<208x8xf32>
    %add3A_194 = arith.addf %add3A_192, %slice3A_193 : vector<208x8xf32>
    %slice3A_195 = vector.extract_strided_slice %add3A_171 {offsets = [0, 96], sizes = [208, 8], strides = [1, 1]} : vector<208x128xf32> to vector<208x8xf32>
    %add3A_196 = arith.addf %add3A_194, %slice3A_195 : vector<208x8xf32>
    %slice3A_197 = vector.extract_strided_slice %add3A_171 {offsets = [0, 104], sizes = [208, 8], strides = [1, 1]} : vector<208x128xf32> to vector<208x8xf32>
    %add3A_198 = arith.addf %add3A_196, %slice3A_197 : vector<208x8xf32>
    %slice3A_199 = vector.extract_strided_slice %add3A_171 {offsets = [0, 112], sizes = [208, 8], strides = [1, 1]} : vector<208x128xf32> to vector<208x8xf32>
    %add3A_200 = arith.addf %add3A_198, %slice3A_199 : vector<208x8xf32>
    %slice3A_201 = vector.extract_strided_slice %add3A_171 {offsets = [0, 120], sizes = [208, 8], strides = [1, 1]} : vector<208x128xf32> to vector<208x8xf32>
    %add3A_202 = arith.addf %add3A_200, %slice3A_201 : vector<208x8xf32>
    %slice3A_203 = vector.extract_strided_slice %add3A_202 {offsets = [0, 0], sizes = [208, 1], strides = [1, 1]} : vector<208x8xf32> to vector<208x1xf32>
    %div3A_204 = vector.broadcast %slice3A_203 : vector<208x1xf32> to vector<208x208xf32>
    %div3A_205 = arith.divf %exp3A_156, %div3A_204 : vector<208x208xf32>
    %dot_general3A_206 = arith.constant dense<0.000000e+00> : vector<208x48xf32>
    %dot_general3A_207 = tpu.matmul %div3A_205, %slice3A_142, %dot_general3A_206 {dimension_numbers = #tpu.dot_dimension_numbers<[1], [0], [0], [1], [0, 0, 1, 1], [], []>, transpose_lhs_hint = false} : vector<208x208xf32>, vector<208x48xf32>, vector<208x48xf32> -> vector<208x48xf32>
    %slice3A_208 = vector.extract_strided_slice %add3A_11 {offsets = [0, 144], sizes = [208, 48], strides = [1, 1]} : vector<208x1152xf32> to vector<208x48xf32>
    %slice3A_209 = vector.extract_strided_slice %add3A_11 {offsets = [0, 528], sizes = [208, 48], strides = [1, 1]} : vector<208x1152xf32> to vector<208x48xf32>
    %slice3A_210 = vector.extract_strided_slice %add3A_11 {offsets = [0, 912], sizes = [208, 48], strides = [1, 1]} : vector<208x1152xf32> to vector<208x48xf32>
    %dot_general3A_211 = arith.constant dense<0.000000e+00> : vector<208x208xf32>
    %dot_general3A_212 = tpu.matmul %slice3A_208, %slice3A_209, %dot_general3A_211 {dimension_numbers = #tpu.dot_dimension_numbers<[1], [1], [0], [0], [0, 0, 1, 0], [], []>, transpose_lhs_hint = false} : vector<208x48xf32>, vector<208x48xf32>, vector<208x208xf32> -> vector<208x208xf32>
    %div3A_213 = arith.constant 6.92820311 : f32
    %div3A_214 = vector.broadcast %div3A_213 : f32 to vector<208x208xf32>
    %div3A_215 = arith.divf %dot_general3A_212, %div3A_214 : vector<208x208xf32>
    %jit3A_216 = arith.constant -1.000000e+30 : f32
    %broadcast_in_dim3A_217 = vector.broadcast %jit3A_216 : f32 to vector<208x208xf32>
    %select_n3A_218 = arith.select %lt3A_13, %div3A_215, %broadcast_in_dim3A_217 : vector<208x208xi1>, vector<208x208xf32>
    %reduce_max3A_219 = arith.constant dense<0xFF800000> : vector<208xf32>
    %reduce_max3A_220 = vector.multi_reduction <maximumf>, %select_n3A_218, %reduce_max3A_219 [1] : vector<208x208xf32> to vector<208xf32>
    %broadcast_in_dim3A_221 = vector.shape_cast %reduce_max3A_220 : vector<208xf32> to vector<208x1xf32>
    %sub3A_222 = vector.broadcast %broadcast_in_dim3A_221 : vector<208x1xf32> to vector<208x208xf32>
    %sub3A_223 = arith.subf %select_n3A_218, %sub3A_222 : vector<208x208xf32>
    %exp3A_224 = math.exp %sub3A_223 : vector<208x208xf32>
    %broadcast_in_dim3A_225 = arith.constant 0.000000e+00 : f32
    %broadcast_in_dim3A_226 = vector.broadcast %broadcast_in_dim3A_225 : f32 to vector<208x48xf32>
    %concatenate3A_227 = tpu.concatenate %exp3A_224, %broadcast_in_dim3A_226 in 1 : vector<208x208xf32>, vector<208x48xf32> -> vector<208x256xf32>
    %slice3A_228 = vector.extract_strided_slice %concatenate3A_227 {offsets = [0, 0], sizes = [208, 128], strides = [1, 1]} : vector<208x256xf32> to vector<208x128xf32>
    %slice3A_229 = vector.extract_strided_slice %concatenate3A_227 {offsets = [0, 128], sizes = [208, 128], strides = [1, 1]} : vector<208x256xf32> to vector<208x128xf32>
    %add3A_230 = arith.addf %slice3A_228, %slice3A_229 : vector<208x128xf32>
    %roll3A_231 = arith.constant 127 : i32
    %roll3A_232 = tpu.dynamic_rotate %add3A_230 by %roll3A_231 dim 1 : vector<208x128xf32>, i32 -> vector<208x128xf32>
    %add3A_233 = arith.addf %add3A_230, %roll3A_232 : vector<208x128xf32>
    %roll3A_234 = arith.constant 126 : i32
    %roll3A_235 = tpu.dynamic_rotate %add3A_233 by %roll3A_234 dim 1 : vector<208x128xf32>, i32 -> vector<208x128xf32>
    %add3A_236 = arith.addf %add3A_233, %roll3A_235 : vector<208x128xf32>
    %roll3A_237 = arith.constant 124 : i32
    %roll3A_238 = tpu.dynamic_rotate %add3A_236 by %roll3A_237 dim 1 : vector<208x128xf32>, i32 -> vector<208x128xf32>
    %add3A_239 = arith.addf %add3A_236, %roll3A_238 : vector<208x128xf32>
    %slice3A_240 = vector.extract_strided_slice %add3A_239 {offsets = [0, 0], sizes = [208, 8], strides = [1, 1]} : vector<208x128xf32> to vector<208x8xf32>
    %slice3A_241 = vector.extract_strided_slice %add3A_239 {offsets = [0, 8], sizes = [208, 8], strides = [1, 1]} : vector<208x128xf32> to vector<208x8xf32>
    %add3A_242 = arith.addf %slice3A_240, %slice3A_241 : vector<208x8xf32>
    %slice3A_243 = vector.extract_strided_slice %add3A_239 {offsets = [0, 16], sizes = [208, 8], strides = [1, 1]} : vector<208x128xf32> to vector<208x8xf32>
    %add3A_244 = arith.addf %add3A_242, %slice3A_243 : vector<208x8xf32>
    %slice3A_245 = vector.extract_strided_slice %add3A_239 {offsets = [0, 24], sizes = [208, 8], strides = [1, 1]} : vector<208x128xf32> to vector<208x8xf32>
    %add3A_246 = arith.addf %add3A_244, %slice3A_245 : vector<208x8xf32>
    %slice3A_247 = vector.extract_strided_slice %add3A_239 {offsets = [0, 32], sizes = [208, 8], strides = [1, 1]} : vector<208x128xf32> to vector<208x8xf32>
    %add3A_248 = arith.addf %add3A_246, %slice3A_247 : vector<208x8xf32>
    %slice3A_249 = vector.extract_strided_slice %add3A_239 {offsets = [0, 40], sizes = [208, 8], strides = [1, 1]} : vector<208x128xf32> to vector<208x8xf32>
    %add3A_250 = arith.addf %add3A_248, %slice3A_249 : vector<208x8xf32>
    %slice3A_251 = vector.extract_strided_slice %add3A_239 {offsets = [0, 48], sizes = [208, 8], strides = [1, 1]} : vector<208x128xf32> to vector<208x8xf32>
    %add3A_252 = arith.addf %add3A_250, %slice3A_251 : vector<208x8xf32>
    %slice3A_253 = vector.extract_strided_slice %add3A_239 {offsets = [0, 56], sizes = [208, 8], strides = [1, 1]} : vector<208x128xf32> to vector<208x8xf32>
    %add3A_254 = arith.addf %add3A_252, %slice3A_253 : vector<208x8xf32>
    %slice3A_255 = vector.extract_strided_slice %add3A_239 {offsets = [0, 64], sizes = [208, 8], strides = [1, 1]} : vector<208x128xf32> to vector<208x8xf32>
    %add3A_256 = arith.addf %add3A_254, %slice3A_255 : vector<208x8xf32>
    %slice3A_257 = vector.extract_strided_slice %add3A_239 {offsets = [0, 72], sizes = [208, 8], strides = [1, 1]} : vector<208x128xf32> to vector<208x8xf32>
    %add3A_258 = arith.addf %add3A_256, %slice3A_257 : vector<208x8xf32>
    %slice3A_259 = vector.extract_strided_slice %add3A_239 {offsets = [0, 80], sizes = [208, 8], strides = [1, 1]} : vector<208x128xf32> to vector<208x8xf32>
    %add3A_260 = arith.addf %add3A_258, %slice3A_259 : vector<208x8xf32>
    %slice3A_261 = vector.extract_strided_slice %add3A_239 {offsets = [0, 88], sizes = [208, 8], strides = [1, 1]} : vector<208x128xf32> to vector<208x8xf32>
    %add3A_262 = arith.addf %add3A_260, %slice3A_261 : vector<208x8xf32>
    %slice3A_263 = vector.extract_strided_slice %add3A_239 {offsets = [0, 96], sizes = [208, 8], strides = [1, 1]} : vector<208x128xf32> to vector<208x8xf32>
    %add3A_264 = arith.addf %add3A_262, %slice3A_263 : vector<208x8xf32>
    %slice3A_265 = vector.extract_strided_slice %add3A_239 {offsets = [0, 104], sizes = [208, 8], strides = [1, 1]} : vector<208x128xf32> to vector<208x8xf32>
    %add3A_266 = arith.addf %add3A_264, %slice3A_265 : vector<208x8xf32>
    %slice3A_267 = vector.extract_strided_slice %add3A_239 {offsets = [0, 112], sizes = [208, 8], strides = [1, 1]} : vector<208x128xf32> to vector<208x8xf32>
    %add3A_268 = arith.addf %add3A_266, %slice3A_267 : vector<208x8xf32>
    %slice3A_269 = vector.extract_strided_slice %add3A_239 {offsets = [0, 120], sizes = [208, 8], strides = [1, 1]} : vector<208x128xf32> to vector<208x8xf32>
    %add3A_270 = arith.addf %add3A_268, %slice3A_269 : vector<208x8xf32>
    %slice3A_271 = vector.extract_strided_slice %add3A_270 {offsets = [0, 0], sizes = [208, 1], strides = [1, 1]} : vector<208x8xf32> to vector<208x1xf32>
    %div3A_272 = vector.broadcast %slice3A_271 : vector<208x1xf32> to vector<208x208xf32>
    %div3A_273 = arith.divf %exp3A_224, %div3A_272 : vector<208x208xf32>
    %dot_general3A_274 = arith.constant dense<0.000000e+00> : vector<208x48xf32>
    %dot_general3A_275 = tpu.matmul %div3A_273, %slice3A_210, %dot_general3A_274 {dimension_numbers = #tpu.dot_dimension_numbers<[1], [0], [0], [1], [0, 0, 1, 1], [], []>, transpose_lhs_hint = false} : vector<208x208xf32>, vector<208x48xf32>, vector<208x48xf32> -> vector<208x48xf32>
    %slice3A_276 = vector.extract_strided_slice %add3A_11 {offsets = [0, 192], sizes = [208, 48], strides = [1, 1]} : vector<208x1152xf32> to vector<208x48xf32>
    %slice3A_277 = vector.extract_strided_slice %add3A_11 {offsets = [0, 576], sizes = [208, 48], strides = [1, 1]} : vector<208x1152xf32> to vector<208x48xf32>
    %slice3A_278 = vector.extract_strided_slice %add3A_11 {offsets = [0, 960], sizes = [208, 48], strides = [1, 1]} : vector<208x1152xf32> to vector<208x48xf32>
    %dot_general3A_279 = arith.constant dense<0.000000e+00> : vector<208x208xf32>
    %dot_general3A_280 = tpu.matmul %slice3A_276, %slice3A_277, %dot_general3A_279 {dimension_numbers = #tpu.dot_dimension_numbers<[1], [1], [0], [0], [0, 0, 1, 0], [], []>, transpose_lhs_hint = false} : vector<208x48xf32>, vector<208x48xf32>, vector<208x208xf32> -> vector<208x208xf32>
    %div3A_281 = arith.constant 6.92820311 : f32
    %div3A_282 = vector.broadcast %div3A_281 : f32 to vector<208x208xf32>
    %div3A_283 = arith.divf %dot_general3A_280, %div3A_282 : vector<208x208xf32>
    %jit3A_284 = arith.constant -1.000000e+30 : f32
    %broadcast_in_dim3A_285 = vector.broadcast %jit3A_284 : f32 to vector<208x208xf32>
    %select_n3A_286 = arith.select %lt3A_13, %div3A_283, %broadcast_in_dim3A_285 : vector<208x208xi1>, vector<208x208xf32>
    %reduce_max3A_287 = arith.constant dense<0xFF800000> : vector<208xf32>
    %reduce_max3A_288 = vector.multi_reduction <maximumf>, %select_n3A_286, %reduce_max3A_287 [1] : vector<208x208xf32> to vector<208xf32>
    %broadcast_in_dim3A_289 = vector.shape_cast %reduce_max3A_288 : vector<208xf32> to vector<208x1xf32>
    %sub3A_290 = vector.broadcast %broadcast_in_dim3A_289 : vector<208x1xf32> to vector<208x208xf32>
    %sub3A_291 = arith.subf %select_n3A_286, %sub3A_290 : vector<208x208xf32>
    %exp3A_292 = math.exp %sub3A_291 : vector<208x208xf32>
    %broadcast_in_dim3A_293 = arith.constant 0.000000e+00 : f32
    %broadcast_in_dim3A_294 = vector.broadcast %broadcast_in_dim3A_293 : f32 to vector<208x48xf32>
    %concatenate3A_295 = tpu.concatenate %exp3A_292, %broadcast_in_dim3A_294 in 1 : vector<208x208xf32>, vector<208x48xf32> -> vector<208x256xf32>
    %slice3A_296 = vector.extract_strided_slice %concatenate3A_295 {offsets = [0, 0], sizes = [208, 128], strides = [1, 1]} : vector<208x256xf32> to vector<208x128xf32>
    %slice3A_297 = vector.extract_strided_slice %concatenate3A_295 {offsets = [0, 128], sizes = [208, 128], strides = [1, 1]} : vector<208x256xf32> to vector<208x128xf32>
    %add3A_298 = arith.addf %slice3A_296, %slice3A_297 : vector<208x128xf32>
    %roll3A_299 = arith.constant 127 : i32
    %roll3A_300 = tpu.dynamic_rotate %add3A_298 by %roll3A_299 dim 1 : vector<208x128xf32>, i32 -> vector<208x128xf32>
    %add3A_301 = arith.addf %add3A_298, %roll3A_300 : vector<208x128xf32>
    %roll3A_302 = arith.constant 126 : i32
    %roll3A_303 = tpu.dynamic_rotate %add3A_301 by %roll3A_302 dim 1 : vector<208x128xf32>, i32 -> vector<208x128xf32>
    %add3A_304 = arith.addf %add3A_301, %roll3A_303 : vector<208x128xf32>
    %roll3A_305 = arith.constant 124 : i32
    %roll3A_306 = tpu.dynamic_rotate %add3A_304 by %roll3A_305 dim 1 : vector<208x128xf32>, i32 -> vector<208x128xf32>
    %add3A_307 = arith.addf %add3A_304, %roll3A_306 : vector<208x128xf32>
    %slice3A_308 = vector.extract_strided_slice %add3A_307 {offsets = [0, 0], sizes = [208, 8], strides = [1, 1]} : vector<208x128xf32> to vector<208x8xf32>
    %slice3A_309 = vector.extract_strided_slice %add3A_307 {offsets = [0, 8], sizes = [208, 8], strides = [1, 1]} : vector<208x128xf32> to vector<208x8xf32>
    %add3A_310 = arith.addf %slice3A_308, %slice3A_309 : vector<208x8xf32>
    %slice3A_311 = vector.extract_strided_slice %add3A_307 {offsets = [0, 16], sizes = [208, 8], strides = [1, 1]} : vector<208x128xf32> to vector<208x8xf32>
    %add3A_312 = arith.addf %add3A_310, %slice3A_311 : vector<208x8xf32>
    %slice3A_313 = vector.extract_strided_slice %add3A_307 {offsets = [0, 24], sizes = [208, 8], strides = [1, 1]} : vector<208x128xf32> to vector<208x8xf32>
    %add3A_314 = arith.addf %add3A_312, %slice3A_313 : vector<208x8xf32>
    %slice3A_315 = vector.extract_strided_slice %add3A_307 {offsets = [0, 32], sizes = [208, 8], strides = [1, 1]} : vector<208x128xf32> to vector<208x8xf32>
    %add3A_316 = arith.addf %add3A_314, %slice3A_315 : vector<208x8xf32>
    %slice3A_317 = vector.extract_strided_slice %add3A_307 {offsets = [0, 40], sizes = [208, 8], strides = [1, 1]} : vector<208x128xf32> to vector<208x8xf32>
    %add3A_318 = arith.addf %add3A_316, %slice3A_317 : vector<208x8xf32>
    %slice3A_319 = vector.extract_strided_slice %add3A_307 {offsets = [0, 48], sizes = [208, 8], strides = [1, 1]} : vector<208x128xf32> to vector<208x8xf32>
    %add3A_320 = arith.addf %add3A_318, %slice3A_319 : vector<208x8xf32>
    %slice3A_321 = vector.extract_strided_slice %add3A_307 {offsets = [0, 56], sizes = [208, 8], strides = [1, 1]} : vector<208x128xf32> to vector<208x8xf32>
    %add3A_322 = arith.addf %add3A_320, %slice3A_321 : vector<208x8xf32>
    %slice3A_323 = vector.extract_strided_slice %add3A_307 {offsets = [0, 64], sizes = [208, 8], strides = [1, 1]} : vector<208x128xf32> to vector<208x8xf32>
    %add3A_324 = arith.addf %add3A_322, %slice3A_323 : vector<208x8xf32>
    %slice3A_325 = vector.extract_strided_slice %add3A_307 {offsets = [0, 72], sizes = [208, 8], strides = [1, 1]} : vector<208x128xf32> to vector<208x8xf32>
    %add3A_326 = arith.addf %add3A_324, %slice3A_325 : vector<208x8xf32>
    %slice3A_327 = vector.extract_strided_slice %add3A_307 {offsets = [0, 80], sizes = [208, 8], strides = [1, 1]} : vector<208x128xf32> to vector<208x8xf32>
    %add3A_328 = arith.addf %add3A_326, %slice3A_327 : vector<208x8xf32>
    %slice3A_329 = vector.extract_strided_slice %add3A_307 {offsets = [0, 88], sizes = [208, 8], strides = [1, 1]} : vector<208x128xf32> to vector<208x8xf32>
    %add3A_330 = arith.addf %add3A_328, %slice3A_329 : vector<208x8xf32>
    %slice3A_331 = vector.extract_strided_slice %add3A_307 {offsets = [0, 96], sizes = [208, 8], strides = [1, 1]} : vector<208x128xf32> to vector<208x8xf32>
    %add3A_332 = arith.addf %add3A_330, %slice3A_331 : vector<208x8xf32>
    %slice3A_333 = vector.extract_strided_slice %add3A_307 {offsets = [0, 104], sizes = [208, 8], strides = [1, 1]} : vector<208x128xf32> to vector<208x8xf32>
    %add3A_334 = arith.addf %add3A_332, %slice3A_333 : vector<208x8xf32>
    %slice3A_335 = vector.extract_strided_slice %add3A_307 {offsets = [0, 112], sizes = [208, 8], strides = [1, 1]} : vector<208x128xf32> to vector<208x8xf32>
    %add3A_336 = arith.addf %add3A_334, %slice3A_335 : vector<208x8xf32>
    %slice3A_337 = vector.extract_strided_slice %add3A_307 {offsets = [0, 120], sizes = [208, 8], strides = [1, 1]} : vector<208x128xf32> to vector<208x8xf32>
    %add3A_338 = arith.addf %add3A_336, %slice3A_337 : vector<208x8xf32>
    %slice3A_339 = vector.extract_strided_slice %add3A_338 {offsets = [0, 0], sizes = [208, 1], strides = [1, 1]} : vector<208x8xf32> to vector<208x1xf32>
    %div3A_340 = vector.broadcast %slice3A_339 : vector<208x1xf32> to vector<208x208xf32>
    %div3A_341 = arith.divf %exp3A_292, %div3A_340 : vector<208x208xf32>
    %dot_general3A_342 = arith.constant dense<0.000000e+00> : vector<208x48xf32>
    %dot_general3A_343 = tpu.matmul %div3A_341, %slice3A_278, %dot_general3A_342 {dimension_numbers = #tpu.dot_dimension_numbers<[1], [0], [0], [1], [0, 0, 1, 1], [], []>, transpose_lhs_hint = false} : vector<208x208xf32>, vector<208x48xf32>, vector<208x48xf32> -> vector<208x48xf32>
    %slice3A_344 = vector.extract_strided_slice %add3A_11 {offsets = [0, 240], sizes = [208, 48], strides = [1, 1]} : vector<208x1152xf32> to vector<208x48xf32>
    %slice3A_345 = vector.extract_strided_slice %add3A_11 {offsets = [0, 624], sizes = [208, 48], strides = [1, 1]} : vector<208x1152xf32> to vector<208x48xf32>
    %slice3A_346 = vector.extract_strided_slice %add3A_11 {offsets = [0, 1008], sizes = [208, 48], strides = [1, 1]} : vector<208x1152xf32> to vector<208x48xf32>
    %dot_general3A_347 = arith.constant dense<0.000000e+00> : vector<208x208xf32>
    %dot_general3A_348 = tpu.matmul %slice3A_344, %slice3A_345, %dot_general3A_347 {dimension_numbers = #tpu.dot_dimension_numbers<[1], [1], [0], [0], [0, 0, 1, 0], [], []>, transpose_lhs_hint = false} : vector<208x48xf32>, vector<208x48xf32>, vector<208x208xf32> -> vector<208x208xf32>
    %div3A_349 = arith.constant 6.92820311 : f32
    %div3A_350 = vector.broadcast %div3A_349 : f32 to vector<208x208xf32>
    %div3A_351 = arith.divf %dot_general3A_348, %div3A_350 : vector<208x208xf32>
    %jit3A_352 = arith.constant -1.000000e+30 : f32
    %broadcast_in_dim3A_353 = vector.broadcast %jit3A_352 : f32 to vector<208x208xf32>
    %select_n3A_354 = arith.select %lt3A_13, %div3A_351, %broadcast_in_dim3A_353 : vector<208x208xi1>, vector<208x208xf32>
    %reduce_max3A_355 = arith.constant dense<0xFF800000> : vector<208xf32>
    %reduce_max3A_356 = vector.multi_reduction <maximumf>, %select_n3A_354, %reduce_max3A_355 [1] : vector<208x208xf32> to vector<208xf32>
    %broadcast_in_dim3A_357 = vector.shape_cast %reduce_max3A_356 : vector<208xf32> to vector<208x1xf32>
    %sub3A_358 = vector.broadcast %broadcast_in_dim3A_357 : vector<208x1xf32> to vector<208x208xf32>
    %sub3A_359 = arith.subf %select_n3A_354, %sub3A_358 : vector<208x208xf32>
    %exp3A_360 = math.exp %sub3A_359 : vector<208x208xf32>
    %broadcast_in_dim3A_361 = arith.constant 0.000000e+00 : f32
    %broadcast_in_dim3A_362 = vector.broadcast %broadcast_in_dim3A_361 : f32 to vector<208x48xf32>
    %concatenate3A_363 = tpu.concatenate %exp3A_360, %broadcast_in_dim3A_362 in 1 : vector<208x208xf32>, vector<208x48xf32> -> vector<208x256xf32>
    %slice3A_364 = vector.extract_strided_slice %concatenate3A_363 {offsets = [0, 0], sizes = [208, 128], strides = [1, 1]} : vector<208x256xf32> to vector<208x128xf32>
    %slice3A_365 = vector.extract_strided_slice %concatenate3A_363 {offsets = [0, 128], sizes = [208, 128], strides = [1, 1]} : vector<208x256xf32> to vector<208x128xf32>
    %add3A_366 = arith.addf %slice3A_364, %slice3A_365 : vector<208x128xf32>
    %roll3A_367 = arith.constant 127 : i32
    %roll3A_368 = tpu.dynamic_rotate %add3A_366 by %roll3A_367 dim 1 : vector<208x128xf32>, i32 -> vector<208x128xf32>
    %add3A_369 = arith.addf %add3A_366, %roll3A_368 : vector<208x128xf32>
    %roll3A_370 = arith.constant 126 : i32
    %roll3A_371 = tpu.dynamic_rotate %add3A_369 by %roll3A_370 dim 1 : vector<208x128xf32>, i32 -> vector<208x128xf32>
    %add3A_372 = arith.addf %add3A_369, %roll3A_371 : vector<208x128xf32>
    %roll3A_373 = arith.constant 124 : i32
    %roll3A_374 = tpu.dynamic_rotate %add3A_372 by %roll3A_373 dim 1 : vector<208x128xf32>, i32 -> vector<208x128xf32>
    %add3A_375 = arith.addf %add3A_372, %roll3A_374 : vector<208x128xf32>
    %slice3A_376 = vector.extract_strided_slice %add3A_375 {offsets = [0, 0], sizes = [208, 8], strides = [1, 1]} : vector<208x128xf32> to vector<208x8xf32>
    %slice3A_377 = vector.extract_strided_slice %add3A_375 {offsets = [0, 8], sizes = [208, 8], strides = [1, 1]} : vector<208x128xf32> to vector<208x8xf32>
    %add3A_378 = arith.addf %slice3A_376, %slice3A_377 : vector<208x8xf32>
    %slice3A_379 = vector.extract_strided_slice %add3A_375 {offsets = [0, 16], sizes = [208, 8], strides = [1, 1]} : vector<208x128xf32> to vector<208x8xf32>
    %add3A_380 = arith.addf %add3A_378, %slice3A_379 : vector<208x8xf32>
    %slice3A_381 = vector.extract_strided_slice %add3A_375 {offsets = [0, 24], sizes = [208, 8], strides = [1, 1]} : vector<208x128xf32> to vector<208x8xf32>
    %add3A_382 = arith.addf %add3A_380, %slice3A_381 : vector<208x8xf32>
    %slice3A_383 = vector.extract_strided_slice %add3A_375 {offsets = [0, 32], sizes = [208, 8], strides = [1, 1]} : vector<208x128xf32> to vector<208x8xf32>
    %add3A_384 = arith.addf %add3A_382, %slice3A_383 : vector<208x8xf32>
    %slice3A_385 = vector.extract_strided_slice %add3A_375 {offsets = [0, 40], sizes = [208, 8], strides = [1, 1]} : vector<208x128xf32> to vector<208x8xf32>
    %add3A_386 = arith.addf %add3A_384, %slice3A_385 : vector<208x8xf32>
    %slice3A_387 = vector.extract_strided_slice %add3A_375 {offsets = [0, 48], sizes = [208, 8], strides = [1, 1]} : vector<208x128xf32> to vector<208x8xf32>
    %add3A_388 = arith.addf %add3A_386, %slice3A_387 : vector<208x8xf32>
    %slice3A_389 = vector.extract_strided_slice %add3A_375 {offsets = [0, 56], sizes = [208, 8], strides = [1, 1]} : vector<208x128xf32> to vector<208x8xf32>
    %add3A_390 = arith.addf %add3A_388, %slice3A_389 : vector<208x8xf32>
    %slice3A_391 = vector.extract_strided_slice %add3A_375 {offsets = [0, 64], sizes = [208, 8], strides = [1, 1]} : vector<208x128xf32> to vector<208x8xf32>
    %add3A_392 = arith.addf %add3A_390, %slice3A_391 : vector<208x8xf32>
    %slice3A_393 = vector.extract_strided_slice %add3A_375 {offsets = [0, 72], sizes = [208, 8], strides = [1, 1]} : vector<208x128xf32> to vector<208x8xf32>
    %add3A_394 = arith.addf %add3A_392, %slice3A_393 : vector<208x8xf32>
    %slice3A_395 = vector.extract_strided_slice %add3A_375 {offsets = [0, 80], sizes = [208, 8], strides = [1, 1]} : vector<208x128xf32> to vector<208x8xf32>
    %add3A_396 = arith.addf %add3A_394, %slice3A_395 : vector<208x8xf32>
    %slice3A_397 = vector.extract_strided_slice %add3A_375 {offsets = [0, 88], sizes = [208, 8], strides = [1, 1]} : vector<208x128xf32> to vector<208x8xf32>
    %add3A_398 = arith.addf %add3A_396, %slice3A_397 : vector<208x8xf32>
    %slice3A_399 = vector.extract_strided_slice %add3A_375 {offsets = [0, 96], sizes = [208, 8], strides = [1, 1]} : vector<208x128xf32> to vector<208x8xf32>
    %add3A_400 = arith.addf %add3A_398, %slice3A_399 : vector<208x8xf32>
    %slice3A_401 = vector.extract_strided_slice %add3A_375 {offsets = [0, 104], sizes = [208, 8], strides = [1, 1]} : vector<208x128xf32> to vector<208x8xf32>
    %add3A_402 = arith.addf %add3A_400, %slice3A_401 : vector<208x8xf32>
    %slice3A_403 = vector.extract_strided_slice %add3A_375 {offsets = [0, 112], sizes = [208, 8], strides = [1, 1]} : vector<208x128xf32> to vector<208x8xf32>
    %add3A_404 = arith.addf %add3A_402, %slice3A_403 : vector<208x8xf32>
    %slice3A_405 = vector.extract_strided_slice %add3A_375 {offsets = [0, 120], sizes = [208, 8], strides = [1, 1]} : vector<208x128xf32> to vector<208x8xf32>
    %add3A_406 = arith.addf %add3A_404, %slice3A_405 : vector<208x8xf32>
    %slice3A_407 = vector.extract_strided_slice %add3A_406 {offsets = [0, 0], sizes = [208, 1], strides = [1, 1]} : vector<208x8xf32> to vector<208x1xf32>
    %div3A_408 = vector.broadcast %slice3A_407 : vector<208x1xf32> to vector<208x208xf32>
    %div3A_409 = arith.divf %exp3A_360, %div3A_408 : vector<208x208xf32>
    %dot_general3A_410 = arith.constant dense<0.000000e+00> : vector<208x48xf32>
    %dot_general3A_411 = tpu.matmul %div3A_409, %slice3A_346, %dot_general3A_410 {dimension_numbers = #tpu.dot_dimension_numbers<[1], [0], [0], [1], [0, 0, 1, 1], [], []>, transpose_lhs_hint = false} : vector<208x208xf32>, vector<208x48xf32>, vector<208x48xf32> -> vector<208x48xf32>
    %slice3A_412 = vector.extract_strided_slice %add3A_11 {offsets = [0, 288], sizes = [208, 48], strides = [1, 1]} : vector<208x1152xf32> to vector<208x48xf32>
    %slice3A_413 = vector.extract_strided_slice %add3A_11 {offsets = [0, 672], sizes = [208, 48], strides = [1, 1]} : vector<208x1152xf32> to vector<208x48xf32>
    %slice3A_414 = vector.extract_strided_slice %add3A_11 {offsets = [0, 1056], sizes = [208, 48], strides = [1, 1]} : vector<208x1152xf32> to vector<208x48xf32>
    %dot_general3A_415 = arith.constant dense<0.000000e+00> : vector<208x208xf32>
    %dot_general3A_416 = tpu.matmul %slice3A_412, %slice3A_413, %dot_general3A_415 {dimension_numbers = #tpu.dot_dimension_numbers<[1], [1], [0], [0], [0, 0, 1, 0], [], []>, transpose_lhs_hint = false} : vector<208x48xf32>, vector<208x48xf32>, vector<208x208xf32> -> vector<208x208xf32>
    %div3A_417 = arith.constant 6.92820311 : f32
    %div3A_418 = vector.broadcast %div3A_417 : f32 to vector<208x208xf32>
    %div3A_419 = arith.divf %dot_general3A_416, %div3A_418 : vector<208x208xf32>
    %jit3A_420 = arith.constant -1.000000e+30 : f32
    %broadcast_in_dim3A_421 = vector.broadcast %jit3A_420 : f32 to vector<208x208xf32>
    %select_n3A_422 = arith.select %lt3A_13, %div3A_419, %broadcast_in_dim3A_421 : vector<208x208xi1>, vector<208x208xf32>
    %reduce_max3A_423 = arith.constant dense<0xFF800000> : vector<208xf32>
    %reduce_max3A_424 = vector.multi_reduction <maximumf>, %select_n3A_422, %reduce_max3A_423 [1] : vector<208x208xf32> to vector<208xf32>
    %broadcast_in_dim3A_425 = vector.shape_cast %reduce_max3A_424 : vector<208xf32> to vector<208x1xf32>
    %sub3A_426 = vector.broadcast %broadcast_in_dim3A_425 : vector<208x1xf32> to vector<208x208xf32>
    %sub3A_427 = arith.subf %select_n3A_422, %sub3A_426 : vector<208x208xf32>
    %exp3A_428 = math.exp %sub3A_427 : vector<208x208xf32>
    %broadcast_in_dim3A_429 = arith.constant 0.000000e+00 : f32
    %broadcast_in_dim3A_430 = vector.broadcast %broadcast_in_dim3A_429 : f32 to vector<208x48xf32>
    %concatenate3A_431 = tpu.concatenate %exp3A_428, %broadcast_in_dim3A_430 in 1 : vector<208x208xf32>, vector<208x48xf32> -> vector<208x256xf32>
    %slice3A_432 = vector.extract_strided_slice %concatenate3A_431 {offsets = [0, 0], sizes = [208, 128], strides = [1, 1]} : vector<208x256xf32> to vector<208x128xf32>
    %slice3A_433 = vector.extract_strided_slice %concatenate3A_431 {offsets = [0, 128], sizes = [208, 128], strides = [1, 1]} : vector<208x256xf32> to vector<208x128xf32>
    %add3A_434 = arith.addf %slice3A_432, %slice3A_433 : vector<208x128xf32>
    %roll3A_435 = arith.constant 127 : i32
    %roll3A_436 = tpu.dynamic_rotate %add3A_434 by %roll3A_435 dim 1 : vector<208x128xf32>, i32 -> vector<208x128xf32>
    %add3A_437 = arith.addf %add3A_434, %roll3A_436 : vector<208x128xf32>
    %roll3A_438 = arith.constant 126 : i32
    %roll3A_439 = tpu.dynamic_rotate %add3A_437 by %roll3A_438 dim 1 : vector<208x128xf32>, i32 -> vector<208x128xf32>
    %add3A_440 = arith.addf %add3A_437, %roll3A_439 : vector<208x128xf32>
    %roll3A_441 = arith.constant 124 : i32
    %roll3A_442 = tpu.dynamic_rotate %add3A_440 by %roll3A_441 dim 1 : vector<208x128xf32>, i32 -> vector<208x128xf32>
    %add3A_443 = arith.addf %add3A_440, %roll3A_442 : vector<208x128xf32>
    %slice3A_444 = vector.extract_strided_slice %add3A_443 {offsets = [0, 0], sizes = [208, 8], strides = [1, 1]} : vector<208x128xf32> to vector<208x8xf32>
    %slice3A_445 = vector.extract_strided_slice %add3A_443 {offsets = [0, 8], sizes = [208, 8], strides = [1, 1]} : vector<208x128xf32> to vector<208x8xf32>
    %add3A_446 = arith.addf %slice3A_444, %slice3A_445 : vector<208x8xf32>
    %slice3A_447 = vector.extract_strided_slice %add3A_443 {offsets = [0, 16], sizes = [208, 8], strides = [1, 1]} : vector<208x128xf32> to vector<208x8xf32>
    %add3A_448 = arith.addf %add3A_446, %slice3A_447 : vector<208x8xf32>
    %slice3A_449 = vector.extract_strided_slice %add3A_443 {offsets = [0, 24], sizes = [208, 8], strides = [1, 1]} : vector<208x128xf32> to vector<208x8xf32>
    %add3A_450 = arith.addf %add3A_448, %slice3A_449 : vector<208x8xf32>
    %slice3A_451 = vector.extract_strided_slice %add3A_443 {offsets = [0, 32], sizes = [208, 8], strides = [1, 1]} : vector<208x128xf32> to vector<208x8xf32>
    %add3A_452 = arith.addf %add3A_450, %slice3A_451 : vector<208x8xf32>
    %slice3A_453 = vector.extract_strided_slice %add3A_443 {offsets = [0, 40], sizes = [208, 8], strides = [1, 1]} : vector<208x128xf32> to vector<208x8xf32>
    %add3A_454 = arith.addf %add3A_452, %slice3A_453 : vector<208x8xf32>
    %slice3A_455 = vector.extract_strided_slice %add3A_443 {offsets = [0, 48], sizes = [208, 8], strides = [1, 1]} : vector<208x128xf32> to vector<208x8xf32>
    %add3A_456 = arith.addf %add3A_454, %slice3A_455 : vector<208x8xf32>
    %slice3A_457 = vector.extract_strided_slice %add3A_443 {offsets = [0, 56], sizes = [208, 8], strides = [1, 1]} : vector<208x128xf32> to vector<208x8xf32>
    %add3A_458 = arith.addf %add3A_456, %slice3A_457 : vector<208x8xf32>
    %slice3A_459 = vector.extract_strided_slice %add3A_443 {offsets = [0, 64], sizes = [208, 8], strides = [1, 1]} : vector<208x128xf32> to vector<208x8xf32>
    %add3A_460 = arith.addf %add3A_458, %slice3A_459 : vector<208x8xf32>
    %slice3A_461 = vector.extract_strided_slice %add3A_443 {offsets = [0, 72], sizes = [208, 8], strides = [1, 1]} : vector<208x128xf32> to vector<208x8xf32>
    %add3A_462 = arith.addf %add3A_460, %slice3A_461 : vector<208x8xf32>
    %slice3A_463 = vector.extract_strided_slice %add3A_443 {offsets = [0, 80], sizes = [208, 8], strides = [1, 1]} : vector<208x128xf32> to vector<208x8xf32>
    %add3A_464 = arith.addf %add3A_462, %slice3A_463 : vector<208x8xf32>
    %slice3A_465 = vector.extract_strided_slice %add3A_443 {offsets = [0, 88], sizes = [208, 8], strides = [1, 1]} : vector<208x128xf32> to vector<208x8xf32>
    %add3A_466 = arith.addf %add3A_464, %slice3A_465 : vector<208x8xf32>
    %slice3A_467 = vector.extract_strided_slice %add3A_443 {offsets = [0, 96], sizes = [208, 8], strides = [1, 1]} : vector<208x128xf32> to vector<208x8xf32>
    %add3A_468 = arith.addf %add3A_466, %slice3A_467 : vector<208x8xf32>
    %slice3A_469 = vector.extract_strided_slice %add3A_443 {offsets = [0, 104], sizes = [208, 8], strides = [1, 1]} : vector<208x128xf32> to vector<208x8xf32>
    %add3A_470 = arith.addf %add3A_468, %slice3A_469 : vector<208x8xf32>
    %slice3A_471 = vector.extract_strided_slice %add3A_443 {offsets = [0, 112], sizes = [208, 8], strides = [1, 1]} : vector<208x128xf32> to vector<208x8xf32>
    %add3A_472 = arith.addf %add3A_470, %slice3A_471 : vector<208x8xf32>
    %slice3A_473 = vector.extract_strided_slice %add3A_443 {offsets = [0, 120], sizes = [208, 8], strides = [1, 1]} : vector<208x128xf32> to vector<208x8xf32>
    %add3A_474 = arith.addf %add3A_472, %slice3A_473 : vector<208x8xf32>
    %slice3A_475 = vector.extract_strided_slice %add3A_474 {offsets = [0, 0], sizes = [208, 1], strides = [1, 1]} : vector<208x8xf32> to vector<208x1xf32>
    %div3A_476 = vector.broadcast %slice3A_475 : vector<208x1xf32> to vector<208x208xf32>
    %div3A_477 = arith.divf %exp3A_428, %div3A_476 : vector<208x208xf32>
    %dot_general3A_478 = arith.constant dense<0.000000e+00> : vector<208x48xf32>
    %dot_general3A_479 = tpu.matmul %div3A_477, %slice3A_414, %dot_general3A_478 {dimension_numbers = #tpu.dot_dimension_numbers<[1], [0], [0], [1], [0, 0, 1, 1], [], []>, transpose_lhs_hint = false} : vector<208x208xf32>, vector<208x48xf32>, vector<208x48xf32> -> vector<208x48xf32>
    %slice3A_480 = vector.extract_strided_slice %add3A_11 {offsets = [0, 336], sizes = [208, 48], strides = [1, 1]} : vector<208x1152xf32> to vector<208x48xf32>
    %slice3A_481 = vector.extract_strided_slice %add3A_11 {offsets = [0, 720], sizes = [208, 48], strides = [1, 1]} : vector<208x1152xf32> to vector<208x48xf32>
    %slice3A_482 = vector.extract_strided_slice %add3A_11 {offsets = [0, 1104], sizes = [208, 48], strides = [1, 1]} : vector<208x1152xf32> to vector<208x48xf32>
    %dot_general3A_483 = arith.constant dense<0.000000e+00> : vector<208x208xf32>
    %dot_general3A_484 = tpu.matmul %slice3A_480, %slice3A_481, %dot_general3A_483 {dimension_numbers = #tpu.dot_dimension_numbers<[1], [1], [0], [0], [0, 0, 1, 0], [], []>, transpose_lhs_hint = false} : vector<208x48xf32>, vector<208x48xf32>, vector<208x208xf32> -> vector<208x208xf32>
    %div3A_485 = arith.constant 6.92820311 : f32
    %div3A_486 = vector.broadcast %div3A_485 : f32 to vector<208x208xf32>
    %div3A_487 = arith.divf %dot_general3A_484, %div3A_486 : vector<208x208xf32>
    %jit3A_488 = arith.constant -1.000000e+30 : f32
    %broadcast_in_dim3A_489 = vector.broadcast %jit3A_488 : f32 to vector<208x208xf32>
    %select_n3A_490 = arith.select %lt3A_13, %div3A_487, %broadcast_in_dim3A_489 : vector<208x208xi1>, vector<208x208xf32>
    %reduce_max3A_491 = arith.constant dense<0xFF800000> : vector<208xf32>
    %reduce_max3A_492 = vector.multi_reduction <maximumf>, %select_n3A_490, %reduce_max3A_491 [1] : vector<208x208xf32> to vector<208xf32>
    %broadcast_in_dim3A_493 = vector.shape_cast %reduce_max3A_492 : vector<208xf32> to vector<208x1xf32>
    %sub3A_494 = vector.broadcast %broadcast_in_dim3A_493 : vector<208x1xf32> to vector<208x208xf32>
    %sub3A_495 = arith.subf %select_n3A_490, %sub3A_494 : vector<208x208xf32>
    %exp3A_496 = math.exp %sub3A_495 : vector<208x208xf32>
    %broadcast_in_dim3A_497 = arith.constant 0.000000e+00 : f32
    %broadcast_in_dim3A_498 = vector.broadcast %broadcast_in_dim3A_497 : f32 to vector<208x48xf32>
    %concatenate3A_499 = tpu.concatenate %exp3A_496, %broadcast_in_dim3A_498 in 1 : vector<208x208xf32>, vector<208x48xf32> -> vector<208x256xf32>
    %slice3A_500 = vector.extract_strided_slice %concatenate3A_499 {offsets = [0, 0], sizes = [208, 128], strides = [1, 1]} : vector<208x256xf32> to vector<208x128xf32>
    %slice3A_501 = vector.extract_strided_slice %concatenate3A_499 {offsets = [0, 128], sizes = [208, 128], strides = [1, 1]} : vector<208x256xf32> to vector<208x128xf32>
    %add3A_502 = arith.addf %slice3A_500, %slice3A_501 : vector<208x128xf32>
    %roll3A_503 = arith.constant 127 : i32
    %roll3A_504 = tpu.dynamic_rotate %add3A_502 by %roll3A_503 dim 1 : vector<208x128xf32>, i32 -> vector<208x128xf32>
    %add3A_505 = arith.addf %add3A_502, %roll3A_504 : vector<208x128xf32>
    %roll3A_506 = arith.constant 126 : i32
    %roll3A_507 = tpu.dynamic_rotate %add3A_505 by %roll3A_506 dim 1 : vector<208x128xf32>, i32 -> vector<208x128xf32>
    %add3A_508 = arith.addf %add3A_505, %roll3A_507 : vector<208x128xf32>
    %roll3A_509 = arith.constant 124 : i32
    %roll3A_510 = tpu.dynamic_rotate %add3A_508 by %roll3A_509 dim 1 : vector<208x128xf32>, i32 -> vector<208x128xf32>
    %add3A_511 = arith.addf %add3A_508, %roll3A_510 : vector<208x128xf32>
    %slice3A_512 = vector.extract_strided_slice %add3A_511 {offsets = [0, 0], sizes = [208, 8], strides = [1, 1]} : vector<208x128xf32> to vector<208x8xf32>
    %slice3A_513 = vector.extract_strided_slice %add3A_511 {offsets = [0, 8], sizes = [208, 8], strides = [1, 1]} : vector<208x128xf32> to vector<208x8xf32>
    %add3A_514 = arith.addf %slice3A_512, %slice3A_513 : vector<208x8xf32>
    %slice3A_515 = vector.extract_strided_slice %add3A_511 {offsets = [0, 16], sizes = [208, 8], strides = [1, 1]} : vector<208x128xf32> to vector<208x8xf32>
    %add3A_516 = arith.addf %add3A_514, %slice3A_515 : vector<208x8xf32>
    %slice3A_517 = vector.extract_strided_slice %add3A_511 {offsets = [0, 24], sizes = [208, 8], strides = [1, 1]} : vector<208x128xf32> to vector<208x8xf32>
    %add3A_518 = arith.addf %add3A_516, %slice3A_517 : vector<208x8xf32>
    %slice3A_519 = vector.extract_strided_slice %add3A_511 {offsets = [0, 32], sizes = [208, 8], strides = [1, 1]} : vector<208x128xf32> to vector<208x8xf32>
    %add3A_520 = arith.addf %add3A_518, %slice3A_519 : vector<208x8xf32>
    %slice3A_521 = vector.extract_strided_slice %add3A_511 {offsets = [0, 40], sizes = [208, 8], strides = [1, 1]} : vector<208x128xf32> to vector<208x8xf32>
    %add3A_522 = arith.addf %add3A_520, %slice3A_521 : vector<208x8xf32>
    %slice3A_523 = vector.extract_strided_slice %add3A_511 {offsets = [0, 48], sizes = [208, 8], strides = [1, 1]} : vector<208x128xf32> to vector<208x8xf32>
    %add3A_524 = arith.addf %add3A_522, %slice3A_523 : vector<208x8xf32>
    %slice3A_525 = vector.extract_strided_slice %add3A_511 {offsets = [0, 56], sizes = [208, 8], strides = [1, 1]} : vector<208x128xf32> to vector<208x8xf32>
    %add3A_526 = arith.addf %add3A_524, %slice3A_525 : vector<208x8xf32>
    %slice3A_527 = vector.extract_strided_slice %add3A_511 {offsets = [0, 64], sizes = [208, 8], strides = [1, 1]} : vector<208x128xf32> to vector<208x8xf32>
    %add3A_528 = arith.addf %add3A_526, %slice3A_527 : vector<208x8xf32>
    %slice3A_529 = vector.extract_strided_slice %add3A_511 {offsets = [0, 72], sizes = [208, 8], strides = [1, 1]} : vector<208x128xf32> to vector<208x8xf32>
    %add3A_530 = arith.addf %add3A_528, %slice3A_529 : vector<208x8xf32>
    %slice3A_531 = vector.extract_strided_slice %add3A_511 {offsets = [0, 80], sizes = [208, 8], strides = [1, 1]} : vector<208x128xf32> to vector<208x8xf32>
    %add3A_532 = arith.addf %add3A_530, %slice3A_531 : vector<208x8xf32>
    %slice3A_533 = vector.extract_strided_slice %add3A_511 {offsets = [0, 88], sizes = [208, 8], strides = [1, 1]} : vector<208x128xf32> to vector<208x8xf32>
    %add3A_534 = arith.addf %add3A_532, %slice3A_533 : vector<208x8xf32>
    %slice3A_535 = vector.extract_strided_slice %add3A_511 {offsets = [0, 96], sizes = [208, 8], strides = [1, 1]} : vector<208x128xf32> to vector<208x8xf32>
    %add3A_536 = arith.addf %add3A_534, %slice3A_535 : vector<208x8xf32>
    %slice3A_537 = vector.extract_strided_slice %add3A_511 {offsets = [0, 104], sizes = [208, 8], strides = [1, 1]} : vector<208x128xf32> to vector<208x8xf32>
    %add3A_538 = arith.addf %add3A_536, %slice3A_537 : vector<208x8xf32>
    %slice3A_539 = vector.extract_strided_slice %add3A_511 {offsets = [0, 112], sizes = [208, 8], strides = [1, 1]} : vector<208x128xf32> to vector<208x8xf32>
    %add3A_540 = arith.addf %add3A_538, %slice3A_539 : vector<208x8xf32>
    %slice3A_541 = vector.extract_strided_slice %add3A_511 {offsets = [0, 120], sizes = [208, 8], strides = [1, 1]} : vector<208x128xf32> to vector<208x8xf32>
    %add3A_542 = arith.addf %add3A_540, %slice3A_541 : vector<208x8xf32>
    %slice3A_543 = vector.extract_strided_slice %add3A_542 {offsets = [0, 0], sizes = [208, 1], strides = [1, 1]} : vector<208x8xf32> to vector<208x1xf32>
    %div3A_544 = vector.broadcast %slice3A_543 : vector<208x1xf32> to vector<208x208xf32>
    %div3A_545 = arith.divf %exp3A_496, %div3A_544 : vector<208x208xf32>
    %dot_general3A_546 = arith.constant dense<0.000000e+00> : vector<208x48xf32>
    %dot_general3A_547 = tpu.matmul %div3A_545, %slice3A_482, %dot_general3A_546 {dimension_numbers = #tpu.dot_dimension_numbers<[1], [0], [0], [1], [0, 0, 1, 1], [], []>, transpose_lhs_hint = false} : vector<208x208xf32>, vector<208x48xf32>, vector<208x48xf32> -> vector<208x48xf32>
    %concatenate3A_548 = tpu.concatenate %dot_general3A_71, %dot_general3A_139, %dot_general3A_207, %dot_general3A_275, %dot_general3A_343, %dot_general3A_411, %dot_general3A_479, %dot_general3A_547 in 1 : vector<208x48xf32>, vector<208x48xf32>, vector<208x48xf32>, vector<208x48xf32>, vector<208x48xf32>, vector<208x48xf32>, vector<208x48xf32>, vector<208x48xf32> -> vector<208x384xf32>
    %get3A_549 = arith.constant 0 : index
    %get3A_550 = arith.constant 0 : index
    %get3A_551 = vector.load %arg4[%get3A_549, %get3A_550] : memref<384x384xf32, #tpu.memory_space<vmem>>, vector<384x384xf32>
    %dot_general3A_552 = arith.constant dense<0.000000e+00> : vector<208x384xf32>
    %dot_general3A_553 = tpu.matmul %concatenate3A_548, %get3A_551, %dot_general3A_552 {dimension_numbers = #tpu.dot_dimension_numbers<[1], [1], [0], [0], [0, 0, 1, 0], [], []>, transpose_lhs_hint = false} : vector<208x384xf32>, vector<384x384xf32>, vector<208x384xf32> -> vector<208x384xf32>
    %get3A_554 = arith.constant 0 : index
    %get3A_555 = arith.constant 0 : index
    %get3A_556 = vector.load %arg5[%get3A_554, %get3A_555] : memref<1x384xf32, #tpu.memory_space<vmem>>, vector<1x384xf32>
    %add3A_557 = vector.broadcast %get3A_556 : vector<1x384xf32> to vector<208x384xf32>
    %add3A_558 = arith.addf %dot_general3A_553, %add3A_557 : vector<208x384xf32>
    %add3A_559 = arith.addf %get3A_3, %add3A_558 : vector<208x384xf32>
    %get3A_560 = arith.constant 0 : index
    %get3A_561 = arith.constant 0 : index
    %get3A_562 = vector.load %arg6[%get3A_560, %get3A_561] : memref<1x384xf32, #tpu.memory_space<vmem>>, vector<1x384xf32>
    %get3A_563 = arith.constant 0 : index
    %get3A_564 = arith.constant 0 : index
    %get3A_565 = vector.load %arg7[%get3A_563, %get3A_564] : memref<1x384xf32, #tpu.memory_space<vmem>>, vector<1x384xf32>
    %slice3A_566 = vector.extract_strided_slice %add3A_559 {offsets = [0, 0], sizes = [208, 128], strides = [1, 1]} : vector<208x384xf32> to vector<208x128xf32>
    %slice3A_567 = vector.extract_strided_slice %add3A_559 {offsets = [0, 128], sizes = [208, 128], strides = [1, 1]} : vector<208x384xf32> to vector<208x128xf32>
    %add3A_568 = arith.addf %slice3A_566, %slice3A_567 : vector<208x128xf32>
    %slice3A_569 = vector.extract_strided_slice %add3A_559 {offsets = [0, 256], sizes = [208, 128], strides = [1, 1]} : vector<208x384xf32> to vector<208x128xf32>
    %add3A_570 = arith.addf %add3A_568, %slice3A_569 : vector<208x128xf32>
    %roll3A_571 = arith.constant 127 : i32
    %roll3A_572 = tpu.dynamic_rotate %add3A_570 by %roll3A_571 dim 1 : vector<208x128xf32>, i32 -> vector<208x128xf32>
    %add3A_573 = arith.addf %add3A_570, %roll3A_572 : vector<208x128xf32>
    %roll3A_574 = arith.constant 126 : i32
    %roll3A_575 = tpu.dynamic_rotate %add3A_573 by %roll3A_574 dim 1 : vector<208x128xf32>, i32 -> vector<208x128xf32>
    %add3A_576 = arith.addf %add3A_573, %roll3A_575 : vector<208x128xf32>
    %roll3A_577 = arith.constant 124 : i32
    %roll3A_578 = tpu.dynamic_rotate %add3A_576 by %roll3A_577 dim 1 : vector<208x128xf32>, i32 -> vector<208x128xf32>
    %add3A_579 = arith.addf %add3A_576, %roll3A_578 : vector<208x128xf32>
    %slice3A_580 = vector.extract_strided_slice %add3A_579 {offsets = [0, 0], sizes = [208, 8], strides = [1, 1]} : vector<208x128xf32> to vector<208x8xf32>
    %slice3A_581 = vector.extract_strided_slice %add3A_579 {offsets = [0, 8], sizes = [208, 8], strides = [1, 1]} : vector<208x128xf32> to vector<208x8xf32>
    %add3A_582 = arith.addf %slice3A_580, %slice3A_581 : vector<208x8xf32>
    %slice3A_583 = vector.extract_strided_slice %add3A_579 {offsets = [0, 16], sizes = [208, 8], strides = [1, 1]} : vector<208x128xf32> to vector<208x8xf32>
    %add3A_584 = arith.addf %add3A_582, %slice3A_583 : vector<208x8xf32>
    %slice3A_585 = vector.extract_strided_slice %add3A_579 {offsets = [0, 24], sizes = [208, 8], strides = [1, 1]} : vector<208x128xf32> to vector<208x8xf32>
    %add3A_586 = arith.addf %add3A_584, %slice3A_585 : vector<208x8xf32>
    %slice3A_587 = vector.extract_strided_slice %add3A_579 {offsets = [0, 32], sizes = [208, 8], strides = [1, 1]} : vector<208x128xf32> to vector<208x8xf32>
    %add3A_588 = arith.addf %add3A_586, %slice3A_587 : vector<208x8xf32>
    %slice3A_589 = vector.extract_strided_slice %add3A_579 {offsets = [0, 40], sizes = [208, 8], strides = [1, 1]} : vector<208x128xf32> to vector<208x8xf32>
    %add3A_590 = arith.addf %add3A_588, %slice3A_589 : vector<208x8xf32>
    %slice3A_591 = vector.extract_strided_slice %add3A_579 {offsets = [0, 48], sizes = [208, 8], strides = [1, 1]} : vector<208x128xf32> to vector<208x8xf32>
    %add3A_592 = arith.addf %add3A_590, %slice3A_591 : vector<208x8xf32>
    %slice3A_593 = vector.extract_strided_slice %add3A_579 {offsets = [0, 56], sizes = [208, 8], strides = [1, 1]} : vector<208x128xf32> to vector<208x8xf32>
    %add3A_594 = arith.addf %add3A_592, %slice3A_593 : vector<208x8xf32>
    %slice3A_595 = vector.extract_strided_slice %add3A_579 {offsets = [0, 64], sizes = [208, 8], strides = [1, 1]} : vector<208x128xf32> to vector<208x8xf32>
    %add3A_596 = arith.addf %add3A_594, %slice3A_595 : vector<208x8xf32>
    %slice3A_597 = vector.extract_strided_slice %add3A_579 {offsets = [0, 72], sizes = [208, 8], strides = [1, 1]} : vector<208x128xf32> to vector<208x8xf32>
    %add3A_598 = arith.addf %add3A_596, %slice3A_597 : vector<208x8xf32>
    %slice3A_599 = vector.extract_strided_slice %add3A_579 {offsets = [0, 80], sizes = [208, 8], strides = [1, 1]} : vector<208x128xf32> to vector<208x8xf32>
    %add3A_600 = arith.addf %add3A_598, %slice3A_599 : vector<208x8xf32>
    %slice3A_601 = vector.extract_strided_slice %add3A_579 {offsets = [0, 88], sizes = [208, 8], strides = [1, 1]} : vector<208x128xf32> to vector<208x8xf32>
    %add3A_602 = arith.addf %add3A_600, %slice3A_601 : vector<208x8xf32>
    %slice3A_603 = vector.extract_strided_slice %add3A_579 {offsets = [0, 96], sizes = [208, 8], strides = [1, 1]} : vector<208x128xf32> to vector<208x8xf32>
    %add3A_604 = arith.addf %add3A_602, %slice3A_603 : vector<208x8xf32>
    %slice3A_605 = vector.extract_strided_slice %add3A_579 {offsets = [0, 104], sizes = [208, 8], strides = [1, 1]} : vector<208x128xf32> to vector<208x8xf32>
    %add3A_606 = arith.addf %add3A_604, %slice3A_605 : vector<208x8xf32>
    %slice3A_607 = vector.extract_strided_slice %add3A_579 {offsets = [0, 112], sizes = [208, 8], strides = [1, 1]} : vector<208x128xf32> to vector<208x8xf32>
    %add3A_608 = arith.addf %add3A_606, %slice3A_607 : vector<208x8xf32>
    %slice3A_609 = vector.extract_strided_slice %add3A_579 {offsets = [0, 120], sizes = [208, 8], strides = [1, 1]} : vector<208x128xf32> to vector<208x8xf32>
    %add3A_610 = arith.addf %add3A_608, %slice3A_609 : vector<208x8xf32>
    %slice3A_611 = vector.extract_strided_slice %add3A_610 {offsets = [0, 0], sizes = [208, 1], strides = [1, 1]} : vector<208x8xf32> to vector<208x1xf32>
    %mul3A = arith.constant 0.00260416674 : f32
    %mul3A_612 = vector.broadcast %mul3A : f32 to vector<208x1xf32>
    %mul3A_613 = arith.mulf %slice3A_611, %mul3A_612 : vector<208x1xf32>
    %sub3A_614 = vector.broadcast %mul3A_613 : vector<208x1xf32> to vector<208x384xf32>
    %sub3A_615 = arith.subf %add3A_559, %sub3A_614 : vector<208x384xf32>
    %integer_pow3A = arith.mulf %sub3A_615, %sub3A_615 : vector<208x384xf32>
    %slice3A_616 = vector.extract_strided_slice %integer_pow3A {offsets = [0, 0], sizes = [208, 128], strides = [1, 1]} : vector<208x384xf32> to vector<208x128xf32>
    %slice3A_617 = vector.extract_strided_slice %integer_pow3A {offsets = [0, 128], sizes = [208, 128], strides = [1, 1]} : vector<208x384xf32> to vector<208x128xf32>
    %add3A_618 = arith.addf %slice3A_616, %slice3A_617 : vector<208x128xf32>
    %slice3A_619 = vector.extract_strided_slice %integer_pow3A {offsets = [0, 256], sizes = [208, 128], strides = [1, 1]} : vector<208x384xf32> to vector<208x128xf32>
    %add3A_620 = arith.addf %add3A_618, %slice3A_619 : vector<208x128xf32>
    %roll3A_621 = arith.constant 127 : i32
    %roll3A_622 = tpu.dynamic_rotate %add3A_620 by %roll3A_621 dim 1 : vector<208x128xf32>, i32 -> vector<208x128xf32>
    %add3A_623 = arith.addf %add3A_620, %roll3A_622 : vector<208x128xf32>
    %roll3A_624 = arith.constant 126 : i32
    %roll3A_625 = tpu.dynamic_rotate %add3A_623 by %roll3A_624 dim 1 : vector<208x128xf32>, i32 -> vector<208x128xf32>
    %add3A_626 = arith.addf %add3A_623, %roll3A_625 : vector<208x128xf32>
    %roll3A_627 = arith.constant 124 : i32
    %roll3A_628 = tpu.dynamic_rotate %add3A_626 by %roll3A_627 dim 1 : vector<208x128xf32>, i32 -> vector<208x128xf32>
    %add3A_629 = arith.addf %add3A_626, %roll3A_628 : vector<208x128xf32>
    %slice3A_630 = vector.extract_strided_slice %add3A_629 {offsets = [0, 0], sizes = [208, 8], strides = [1, 1]} : vector<208x128xf32> to vector<208x8xf32>
    %slice3A_631 = vector.extract_strided_slice %add3A_629 {offsets = [0, 8], sizes = [208, 8], strides = [1, 1]} : vector<208x128xf32> to vector<208x8xf32>
    %add3A_632 = arith.addf %slice3A_630, %slice3A_631 : vector<208x8xf32>
    %slice3A_633 = vector.extract_strided_slice %add3A_629 {offsets = [0, 16], sizes = [208, 8], strides = [1, 1]} : vector<208x128xf32> to vector<208x8xf32>
    %add3A_634 = arith.addf %add3A_632, %slice3A_633 : vector<208x8xf32>
    %slice3A_635 = vector.extract_strided_slice %add3A_629 {offsets = [0, 24], sizes = [208, 8], strides = [1, 1]} : vector<208x128xf32> to vector<208x8xf32>
    %add3A_636 = arith.addf %add3A_634, %slice3A_635 : vector<208x8xf32>
    %slice3A_637 = vector.extract_strided_slice %add3A_629 {offsets = [0, 32], sizes = [208, 8], strides = [1, 1]} : vector<208x128xf32> to vector<208x8xf32>
    %add3A_638 = arith.addf %add3A_636, %slice3A_637 : vector<208x8xf32>
    %slice3A_639 = vector.extract_strided_slice %add3A_629 {offsets = [0, 40], sizes = [208, 8], strides = [1, 1]} : vector<208x128xf32> to vector<208x8xf32>
    %add3A_640 = arith.addf %add3A_638, %slice3A_639 : vector<208x8xf32>
    %slice3A_641 = vector.extract_strided_slice %add3A_629 {offsets = [0, 48], sizes = [208, 8], strides = [1, 1]} : vector<208x128xf32> to vector<208x8xf32>
    %add3A_642 = arith.addf %add3A_640, %slice3A_641 : vector<208x8xf32>
    %slice3A_643 = vector.extract_strided_slice %add3A_629 {offsets = [0, 56], sizes = [208, 8], strides = [1, 1]} : vector<208x128xf32> to vector<208x8xf32>
    %add3A_644 = arith.addf %add3A_642, %slice3A_643 : vector<208x8xf32>
    %slice3A_645 = vector.extract_strided_slice %add3A_629 {offsets = [0, 64], sizes = [208, 8], strides = [1, 1]} : vector<208x128xf32> to vector<208x8xf32>
    %add3A_646 = arith.addf %add3A_644, %slice3A_645 : vector<208x8xf32>
    %slice3A_647 = vector.extract_strided_slice %add3A_629 {offsets = [0, 72], sizes = [208, 8], strides = [1, 1]} : vector<208x128xf32> to vector<208x8xf32>
    %add3A_648 = arith.addf %add3A_646, %slice3A_647 : vector<208x8xf32>
    %slice3A_649 = vector.extract_strided_slice %add3A_629 {offsets = [0, 80], sizes = [208, 8], strides = [1, 1]} : vector<208x128xf32> to vector<208x8xf32>
    %add3A_650 = arith.addf %add3A_648, %slice3A_649 : vector<208x8xf32>
    %slice3A_651 = vector.extract_strided_slice %add3A_629 {offsets = [0, 88], sizes = [208, 8], strides = [1, 1]} : vector<208x128xf32> to vector<208x8xf32>
    %add3A_652 = arith.addf %add3A_650, %slice3A_651 : vector<208x8xf32>
    %slice3A_653 = vector.extract_strided_slice %add3A_629 {offsets = [0, 96], sizes = [208, 8], strides = [1, 1]} : vector<208x128xf32> to vector<208x8xf32>
    %add3A_654 = arith.addf %add3A_652, %slice3A_653 : vector<208x8xf32>
    %slice3A_655 = vector.extract_strided_slice %add3A_629 {offsets = [0, 104], sizes = [208, 8], strides = [1, 1]} : vector<208x128xf32> to vector<208x8xf32>
    %add3A_656 = arith.addf %add3A_654, %slice3A_655 : vector<208x8xf32>
    %slice3A_657 = vector.extract_strided_slice %add3A_629 {offsets = [0, 112], sizes = [208, 8], strides = [1, 1]} : vector<208x128xf32> to vector<208x8xf32>
    %add3A_658 = arith.addf %add3A_656, %slice3A_657 : vector<208x8xf32>
    %slice3A_659 = vector.extract_strided_slice %add3A_629 {offsets = [0, 120], sizes = [208, 8], strides = [1, 1]} : vector<208x128xf32> to vector<208x8xf32>
    %add3A_660 = arith.addf %add3A_658, %slice3A_659 : vector<208x8xf32>
    %slice3A_661 = vector.extract_strided_slice %add3A_660 {offsets = [0, 0], sizes = [208, 1], strides = [1, 1]} : vector<208x8xf32> to vector<208x1xf32>
    %mul3A_662 = arith.constant 0.00260416674 : f32
    %mul3A_663 = vector.broadcast %mul3A_662 : f32 to vector<208x1xf32>
    %mul3A_664 = arith.mulf %slice3A_661, %mul3A_663 : vector<208x1xf32>
    %sub3A_665 = vector.broadcast %mul3A_613 : vector<208x1xf32> to vector<208x384xf32>
    %sub3A_666 = arith.subf %add3A_559, %sub3A_665 : vector<208x384xf32>
    %add3A_667 = arith.constant 9.99999974E-6 : f32
    %add3A_668 = vector.broadcast %add3A_667 : f32 to vector<208x1xf32>
    %add3A_669 = arith.addf %mul3A_664, %add3A_668 : vector<208x1xf32>
    %sqrt3A = math.sqrt %add3A_669 : vector<208x1xf32>
    %div3A_670 = vector.broadcast %sqrt3A : vector<208x1xf32> to vector<208x384xf32>
    %div3A_671 = arith.divf %sub3A_666, %div3A_670 : vector<208x384xf32>
    %mul3A_672 = vector.broadcast %get3A_562 : vector<1x384xf32> to vector<208x384xf32>
    %mul3A_673 = arith.mulf %div3A_671, %mul3A_672 : vector<208x384xf32>
    %add3A_674 = vector.broadcast %get3A_565 : vector<1x384xf32> to vector<208x384xf32>
    %add3A_675 = arith.addf %mul3A_673, %add3A_674 : vector<208x384xf32>
    %get3A_676 = arith.constant 0 : index
    %get3A_677 = arith.constant 0 : index
    %get3A_678 = vector.load %arg8[%get3A_676, %get3A_677] : memref<1536x384xf32, #tpu.memory_space<vmem>>, vector<1536x384xf32>
    %dot_general3A_679 = arith.constant dense<0.000000e+00> : vector<208x1536xf32>
    %dot_general3A_680 = tpu.matmul %add3A_675, %get3A_678, %dot_general3A_679 {dimension_numbers = #tpu.dot_dimension_numbers<[1], [1], [0], [0], [0, 0, 1, 0], [], []>, transpose_lhs_hint = false} : vector<208x384xf32>, vector<1536x384xf32>, vector<208x1536xf32> -> vector<208x1536xf32>
    %get3A_681 = arith.constant 0 : index
    %get3A_682 = arith.constant 0 : index
    %get3A_683 = vector.load %arg9[%get3A_681, %get3A_682] : memref<1x1536xf32, #tpu.memory_space<vmem>>, vector<1x1536xf32>
    %add3A_684 = vector.broadcast %get3A_683 : vector<1x1536xf32> to vector<208x1536xf32>
    %add3A_685 = arith.addf %dot_general3A_680, %add3A_684 : vector<208x1536xf32>
    %max3A = arith.constant 0.000000e+00 : f32
    %max3A_686 = vector.broadcast %max3A : f32 to vector<208x1536xf32>
    %max3A_687 = arith.maximumf %add3A_685, %max3A_686 : vector<208x1536xf32>
    %get3A_688 = arith.constant 0 : index
    %get3A_689 = arith.constant 0 : index
    %get3A_690 = vector.load %arg10[%get3A_688, %get3A_689] : memref<384x1536xf32, #tpu.memory_space<vmem>>, vector<384x1536xf32>
    %dot_general3A_691 = arith.constant dense<0.000000e+00> : vector<208x384xf32>
    %dot_general3A_692 = tpu.matmul %max3A_687, %get3A_690, %dot_general3A_691 {dimension_numbers = #tpu.dot_dimension_numbers<[1], [1], [0], [0], [0, 0, 1, 0], [], []>, transpose_lhs_hint = false} : vector<208x1536xf32>, vector<384x1536xf32>, vector<208x384xf32> -> vector<208x384xf32>
    %get3A_693 = arith.constant 0 : index
    %get3A_694 = arith.constant 0 : index
    %get3A_695 = vector.load %arg11[%get3A_693, %get3A_694] : memref<1x384xf32, #tpu.memory_space<vmem>>, vector<1x384xf32>
    %add3A_696 = vector.broadcast %get3A_695 : vector<1x384xf32> to vector<208x384xf32>
    %add3A_697 = arith.addf %dot_general3A_692, %add3A_696 : vector<208x384xf32>
    %add3A_698 = arith.addf %add3A_675, %add3A_697 : vector<208x384xf32>
    %get3A_699 = arith.constant 0 : index
    %get3A_700 = arith.constant 0 : index
    %get3A_701 = vector.load %arg12[%get3A_699, %get3A_700] : memref<1x384xf32, #tpu.memory_space<vmem>>, vector<1x384xf32>
    %get3A_702 = arith.constant 0 : index
    %get3A_703 = arith.constant 0 : index
    %get3A_704 = vector.load %arg13[%get3A_702, %get3A_703] : memref<1x384xf32, #tpu.memory_space<vmem>>, vector<1x384xf32>
    %slice3A_705 = vector.extract_strided_slice %add3A_698 {offsets = [0, 0], sizes = [208, 128], strides = [1, 1]} : vector<208x384xf32> to vector<208x128xf32>
    %slice3A_706 = vector.extract_strided_slice %add3A_698 {offsets = [0, 128], sizes = [208, 128], strides = [1, 1]} : vector<208x384xf32> to vector<208x128xf32>
    %add3A_707 = arith.addf %slice3A_705, %slice3A_706 : vector<208x128xf32>
    %slice3A_708 = vector.extract_strided_slice %add3A_698 {offsets = [0, 256], sizes = [208, 128], strides = [1, 1]} : vector<208x384xf32> to vector<208x128xf32>
    %add3A_709 = arith.addf %add3A_707, %slice3A_708 : vector<208x128xf32>
    %roll3A_710 = arith.constant 127 : i32
    %roll3A_711 = tpu.dynamic_rotate %add3A_709 by %roll3A_710 dim 1 : vector<208x128xf32>, i32 -> vector<208x128xf32>
    %add3A_712 = arith.addf %add3A_709, %roll3A_711 : vector<208x128xf32>
    %roll3A_713 = arith.constant 126 : i32
    %roll3A_714 = tpu.dynamic_rotate %add3A_712 by %roll3A_713 dim 1 : vector<208x128xf32>, i32 -> vector<208x128xf32>
    %add3A_715 = arith.addf %add3A_712, %roll3A_714 : vector<208x128xf32>
    %roll3A_716 = arith.constant 124 : i32
    %roll3A_717 = tpu.dynamic_rotate %add3A_715 by %roll3A_716 dim 1 : vector<208x128xf32>, i32 -> vector<208x128xf32>
    %add3A_718 = arith.addf %add3A_715, %roll3A_717 : vector<208x128xf32>
    %slice3A_719 = vector.extract_strided_slice %add3A_718 {offsets = [0, 0], sizes = [208, 8], strides = [1, 1]} : vector<208x128xf32> to vector<208x8xf32>
    %slice3A_720 = vector.extract_strided_slice %add3A_718 {offsets = [0, 8], sizes = [208, 8], strides = [1, 1]} : vector<208x128xf32> to vector<208x8xf32>
    %add3A_721 = arith.addf %slice3A_719, %slice3A_720 : vector<208x8xf32>
    %slice3A_722 = vector.extract_strided_slice %add3A_718 {offsets = [0, 16], sizes = [208, 8], strides = [1, 1]} : vector<208x128xf32> to vector<208x8xf32>
    %add3A_723 = arith.addf %add3A_721, %slice3A_722 : vector<208x8xf32>
    %slice3A_724 = vector.extract_strided_slice %add3A_718 {offsets = [0, 24], sizes = [208, 8], strides = [1, 1]} : vector<208x128xf32> to vector<208x8xf32>
    %add3A_725 = arith.addf %add3A_723, %slice3A_724 : vector<208x8xf32>
    %slice3A_726 = vector.extract_strided_slice %add3A_718 {offsets = [0, 32], sizes = [208, 8], strides = [1, 1]} : vector<208x128xf32> to vector<208x8xf32>
    %add3A_727 = arith.addf %add3A_725, %slice3A_726 : vector<208x8xf32>
    %slice3A_728 = vector.extract_strided_slice %add3A_718 {offsets = [0, 40], sizes = [208, 8], strides = [1, 1]} : vector<208x128xf32> to vector<208x8xf32>
    %add3A_729 = arith.addf %add3A_727, %slice3A_728 : vector<208x8xf32>
    %slice3A_730 = vector.extract_strided_slice %add3A_718 {offsets = [0, 48], sizes = [208, 8], strides = [1, 1]} : vector<208x128xf32> to vector<208x8xf32>
    %add3A_731 = arith.addf %add3A_729, %slice3A_730 : vector<208x8xf32>
    %slice3A_732 = vector.extract_strided_slice %add3A_718 {offsets = [0, 56], sizes = [208, 8], strides = [1, 1]} : vector<208x128xf32> to vector<208x8xf32>
    %add3A_733 = arith.addf %add3A_731, %slice3A_732 : vector<208x8xf32>
    %slice3A_734 = vector.extract_strided_slice %add3A_718 {offsets = [0, 64], sizes = [208, 8], strides = [1, 1]} : vector<208x128xf32> to vector<208x8xf32>
    %add3A_735 = arith.addf %add3A_733, %slice3A_734 : vector<208x8xf32>
    %slice3A_736 = vector.extract_strided_slice %add3A_718 {offsets = [0, 72], sizes = [208, 8], strides = [1, 1]} : vector<208x128xf32> to vector<208x8xf32>
    %add3A_737 = arith.addf %add3A_735, %slice3A_736 : vector<208x8xf32>
    %slice3A_738 = vector.extract_strided_slice %add3A_718 {offsets = [0, 80], sizes = [208, 8], strides = [1, 1]} : vector<208x128xf32> to vector<208x8xf32>
    %add3A_739 = arith.addf %add3A_737, %slice3A_738 : vector<208x8xf32>
    %slice3A_740 = vector.extract_strided_slice %add3A_718 {offsets = [0, 88], sizes = [208, 8], strides = [1, 1]} : vector<208x128xf32> to vector<208x8xf32>
    %add3A_741 = arith.addf %add3A_739, %slice3A_740 : vector<208x8xf32>
    %slice3A_742 = vector.extract_strided_slice %add3A_718 {offsets = [0, 96], sizes = [208, 8], strides = [1, 1]} : vector<208x128xf32> to vector<208x8xf32>
    %add3A_743 = arith.addf %add3A_741, %slice3A_742 : vector<208x8xf32>
    %slice3A_744 = vector.extract_strided_slice %add3A_718 {offsets = [0, 104], sizes = [208, 8], strides = [1, 1]} : vector<208x128xf32> to vector<208x8xf32>
    %add3A_745 = arith.addf %add3A_743, %slice3A_744 : vector<208x8xf32>
    %slice3A_746 = vector.extract_strided_slice %add3A_718 {offsets = [0, 112], sizes = [208, 8], strides = [1, 1]} : vector<208x128xf32> to vector<208x8xf32>
    %add3A_747 = arith.addf %add3A_745, %slice3A_746 : vector<208x8xf32>
    %slice3A_748 = vector.extract_strided_slice %add3A_718 {offsets = [0, 120], sizes = [208, 8], strides = [1, 1]} : vector<208x128xf32> to vector<208x8xf32>
    %add3A_749 = arith.addf %add3A_747, %slice3A_748 : vector<208x8xf32>
    %slice3A_750 = vector.extract_strided_slice %add3A_749 {offsets = [0, 0], sizes = [208, 1], strides = [1, 1]} : vector<208x8xf32> to vector<208x1xf32>
    %mul3A_751 = arith.constant 0.00260416674 : f32
    %mul3A_752 = vector.broadcast %mul3A_751 : f32 to vector<208x1xf32>
    %mul3A_753 = arith.mulf %slice3A_750, %mul3A_752 : vector<208x1xf32>
    %sub3A_754 = vector.broadcast %mul3A_753 : vector<208x1xf32> to vector<208x384xf32>
    %sub3A_755 = arith.subf %add3A_698, %sub3A_754 : vector<208x384xf32>
    %integer_pow3A_756 = arith.mulf %sub3A_755, %sub3A_755 : vector<208x384xf32>
    %slice3A_757 = vector.extract_strided_slice %integer_pow3A_756 {offsets = [0, 0], sizes = [208, 128], strides = [1, 1]} : vector<208x384xf32> to vector<208x128xf32>
    %slice3A_758 = vector.extract_strided_slice %integer_pow3A_756 {offsets = [0, 128], sizes = [208, 128], strides = [1, 1]} : vector<208x384xf32> to vector<208x128xf32>
    %add3A_759 = arith.addf %slice3A_757, %slice3A_758 : vector<208x128xf32>
    %slice3A_760 = vector.extract_strided_slice %integer_pow3A_756 {offsets = [0, 256], sizes = [208, 128], strides = [1, 1]} : vector<208x384xf32> to vector<208x128xf32>
    %add3A_761 = arith.addf %add3A_759, %slice3A_760 : vector<208x128xf32>
    %roll3A_762 = arith.constant 127 : i32
    %roll3A_763 = tpu.dynamic_rotate %add3A_761 by %roll3A_762 dim 1 : vector<208x128xf32>, i32 -> vector<208x128xf32>
    %add3A_764 = arith.addf %add3A_761, %roll3A_763 : vector<208x128xf32>
    %roll3A_765 = arith.constant 126 : i32
    %roll3A_766 = tpu.dynamic_rotate %add3A_764 by %roll3A_765 dim 1 : vector<208x128xf32>, i32 -> vector<208x128xf32>
    %add3A_767 = arith.addf %add3A_764, %roll3A_766 : vector<208x128xf32>
    %roll3A_768 = arith.constant 124 : i32
    %roll3A_769 = tpu.dynamic_rotate %add3A_767 by %roll3A_768 dim 1 : vector<208x128xf32>, i32 -> vector<208x128xf32>
    %add3A_770 = arith.addf %add3A_767, %roll3A_769 : vector<208x128xf32>
    %slice3A_771 = vector.extract_strided_slice %add3A_770 {offsets = [0, 0], sizes = [208, 8], strides = [1, 1]} : vector<208x128xf32> to vector<208x8xf32>
    %slice3A_772 = vector.extract_strided_slice %add3A_770 {offsets = [0, 8], sizes = [208, 8], strides = [1, 1]} : vector<208x128xf32> to vector<208x8xf32>
    %add3A_773 = arith.addf %slice3A_771, %slice3A_772 : vector<208x8xf32>
    %slice3A_774 = vector.extract_strided_slice %add3A_770 {offsets = [0, 16], sizes = [208, 8], strides = [1, 1]} : vector<208x128xf32> to vector<208x8xf32>
    %add3A_775 = arith.addf %add3A_773, %slice3A_774 : vector<208x8xf32>
    %slice3A_776 = vector.extract_strided_slice %add3A_770 {offsets = [0, 24], sizes = [208, 8], strides = [1, 1]} : vector<208x128xf32> to vector<208x8xf32>
    %add3A_777 = arith.addf %add3A_775, %slice3A_776 : vector<208x8xf32>
    %slice3A_778 = vector.extract_strided_slice %add3A_770 {offsets = [0, 32], sizes = [208, 8], strides = [1, 1]} : vector<208x128xf32> to vector<208x8xf32>
    %add3A_779 = arith.addf %add3A_777, %slice3A_778 : vector<208x8xf32>
    %slice3A_780 = vector.extract_strided_slice %add3A_770 {offsets = [0, 40], sizes = [208, 8], strides = [1, 1]} : vector<208x128xf32> to vector<208x8xf32>
    %add3A_781 = arith.addf %add3A_779, %slice3A_780 : vector<208x8xf32>
    %slice3A_782 = vector.extract_strided_slice %add3A_770 {offsets = [0, 48], sizes = [208, 8], strides = [1, 1]} : vector<208x128xf32> to vector<208x8xf32>
    %add3A_783 = arith.addf %add3A_781, %slice3A_782 : vector<208x8xf32>
    %slice3A_784 = vector.extract_strided_slice %add3A_770 {offsets = [0, 56], sizes = [208, 8], strides = [1, 1]} : vector<208x128xf32> to vector<208x8xf32>
    %add3A_785 = arith.addf %add3A_783, %slice3A_784 : vector<208x8xf32>
    %slice3A_786 = vector.extract_strided_slice %add3A_770 {offsets = [0, 64], sizes = [208, 8], strides = [1, 1]} : vector<208x128xf32> to vector<208x8xf32>
    %add3A_787 = arith.addf %add3A_785, %slice3A_786 : vector<208x8xf32>
    %slice3A_788 = vector.extract_strided_slice %add3A_770 {offsets = [0, 72], sizes = [208, 8], strides = [1, 1]} : vector<208x128xf32> to vector<208x8xf32>
    %add3A_789 = arith.addf %add3A_787, %slice3A_788 : vector<208x8xf32>
    %slice3A_790 = vector.extract_strided_slice %add3A_770 {offsets = [0, 80], sizes = [208, 8], strides = [1, 1]} : vector<208x128xf32> to vector<208x8xf32>
    %add3A_791 = arith.addf %add3A_789, %slice3A_790 : vector<208x8xf32>
    %slice3A_792 = vector.extract_strided_slice %add3A_770 {offsets = [0, 88], sizes = [208, 8], strides = [1, 1]} : vector<208x128xf32> to vector<208x8xf32>
    %add3A_793 = arith.addf %add3A_791, %slice3A_792 : vector<208x8xf32>
    %slice3A_794 = vector.extract_strided_slice %add3A_770 {offsets = [0, 96], sizes = [208, 8], strides = [1, 1]} : vector<208x128xf32> to vector<208x8xf32>
    %add3A_795 = arith.addf %add3A_793, %slice3A_794 : vector<208x8xf32>
    %slice3A_796 = vector.extract_strided_slice %add3A_770 {offsets = [0, 104], sizes = [208, 8], strides = [1, 1]} : vector<208x128xf32> to vector<208x8xf32>
    %add3A_797 = arith.addf %add3A_795, %slice3A_796 : vector<208x8xf32>
    %slice3A_798 = vector.extract_strided_slice %add3A_770 {offsets = [0, 112], sizes = [208, 8], strides = [1, 1]} : vector<208x128xf32> to vector<208x8xf32>
    %add3A_799 = arith.addf %add3A_797, %slice3A_798 : vector<208x8xf32>
    %slice3A_800 = vector.extract_strided_slice %add3A_770 {offsets = [0, 120], sizes = [208, 8], strides = [1, 1]} : vector<208x128xf32> to vector<208x8xf32>
    %add3A_801 = arith.addf %add3A_799, %slice3A_800 : vector<208x8xf32>
    %slice3A_802 = vector.extract_strided_slice %add3A_801 {offsets = [0, 0], sizes = [208, 1], strides = [1, 1]} : vector<208x8xf32> to vector<208x1xf32>
    %mul3A_803 = arith.constant 0.00260416674 : f32
    %mul3A_804 = vector.broadcast %mul3A_803 : f32 to vector<208x1xf32>
    %mul3A_805 = arith.mulf %slice3A_802, %mul3A_804 : vector<208x1xf32>
    %sub3A_806 = vector.broadcast %mul3A_753 : vector<208x1xf32> to vector<208x384xf32>
    %sub3A_807 = arith.subf %add3A_698, %sub3A_806 : vector<208x384xf32>
    %add3A_808 = arith.constant 9.99999974E-6 : f32
    %add3A_809 = vector.broadcast %add3A_808 : f32 to vector<208x1xf32>
    %add3A_810 = arith.addf %mul3A_805, %add3A_809 : vector<208x1xf32>
    %sqrt3A_811 = math.sqrt %add3A_810 : vector<208x1xf32>
    %div3A_812 = vector.broadcast %sqrt3A_811 : vector<208x1xf32> to vector<208x384xf32>
    %div3A_813 = arith.divf %sub3A_807, %div3A_812 : vector<208x384xf32>
    %mul3A_814 = vector.broadcast %get3A_701 : vector<1x384xf32> to vector<208x384xf32>
    %mul3A_815 = arith.mulf %div3A_813, %mul3A_814 : vector<208x384xf32>
    %add3A_816 = vector.broadcast %get3A_704 : vector<1x384xf32> to vector<208x384xf32>
    %add3A_817 = arith.addf %mul3A_815, %add3A_816 : vector<208x384xf32>
    %swap3A = arith.constant 0 : index
    %swap3A_818 = arith.constant 0 : index
    %swap3A_819 = arith.constant 0 : index
    %swap3A_820 = vector.load %arg14[%swap3A, %swap3A_818, %swap3A_819] : memref<1x208x384xf32, #tpu.memory_space<vmem>>, vector<1x208x384xf32>
    %swap3A_821 = vector.shape_cast %swap3A_820 : vector<1x208x384xf32> to vector<208x384xf32>
    %swap3A_822 = vector.shape_cast %add3A_817 : vector<208x384xf32> to vector<1x208x384xf32>
    tpu.vector_store %arg14[%swap3A, %swap3A_818, %swap3A_819], %swap3A_822 {strides = array<i32>} : memref<1x208x384xf32, #tpu.memory_space<vmem>>, vector<1x208x384xf32>,
    return
  }
  func.func @transform_0(%arg0: i32) -> (i32, i32, i32) {
    %c0_i32 = arith.constant 0 : i32
    %c0_i32_0 = arith.constant 0 : i32
    %c0_i32_1 = arith.constant 0 : i32
    return %arg0, %c0_i32, %c0_i32_0 : i32, i32, i32
  }
  func.func @transform_1(%arg0: i32) -> (i32, i32) {
    %c0_i32 = arith.constant 0 : i32
    %c0_i32_0 = arith.constant 0 : i32
    %c0_i32_1 = arith.constant 0 : i32
    return %c0_i32, %c0_i32_0 : i32, i32
  }
  func.func @transform_2(%arg0: i32) -> (i32, i32) {
    %c0_i32 = arith.constant 0 : i32
    %c0_i32_0 = arith.constant 0 : i32
    %c0_i32_1 = arith.constant 0 : i32
    return %c0_i32, %c0_i32_0 : i32, i32
  }
  func.func @transform_3(%arg0: i32) -> (i32, i32) {
    %c0_i32 = arith.constant 0 : i32
    %c0_i32_0 = arith.constant 0 : i32
    %c0_i32_1 = arith.constant 0 : i32
    return %c0_i32, %c0_i32_0 : i32, i32
  }
  func.func @transform_4(%arg0: i32) -> (i32, i32) {
    %c0_i32 = arith.constant 0 : i32
    %c0_i32_0 = arith.constant 0 : i32
    %c0_i32_1 = arith.constant 0 : i32
    return %c0_i32, %c0_i32_0 : i32, i32
  }
  func.func @transform_5(%arg0: i32) -> (i32, i32) {
    %c0_i32 = arith.constant 0 : i32
    %c0_i32_0 = arith.constant 0 : i32
    %c0_i32_1 = arith.constant 0 : i32
    return %c0_i32, %c0_i32_0 : i32, i32
  }
  func.func @transform_6(%arg0: i32) -> (i32, i32) {
    %c0_i32 = arith.constant 0 : i32
    %c0_i32_0 = arith.constant 0 : i32
    %c0_i32_1 = arith.constant 0 : i32
    return %c0_i32, %c0_i32_0 : i32, i32
  }
  func.func @transform_7(%arg0: i32) -> (i32, i32) {
    %c0_i32 = arith.constant 0 : i32
    %c0_i32_0 = arith.constant 0 : i32
    %c0_i32_1 = arith.constant 0 : i32
    return %c0_i32, %c0_i32_0 : i32, i32
  }
  func.func @transform_8(%arg0: i32) -> (i32, i32) {
    %c0_i32 = arith.constant 0 : i32
    %c0_i32_0 = arith.constant 0 : i32
    %c0_i32_1 = arith.constant 0 : i32
    return %c0_i32, %c0_i32_0 : i32, i32
  }
  func.func @transform_9(%arg0: i32) -> (i32, i32) {
    %c0_i32 = arith.constant 0 : i32
    %c0_i32_0 = arith.constant 0 : i32
    %c0_i32_1 = arith.constant 0 : i32
    return %c0_i32, %c0_i32_0 : i32, i32
  }
  func.func @transform_10(%arg0: i32) -> (i32, i32) {
    %c0_i32 = arith.constant 0 : i32
    %c0_i32_0 = arith.constant 0 : i32
    %c0_i32_1 = arith.constant 0 : i32
    return %c0_i32, %c0_i32_0 : i32, i32
  }
  func.func @transform_11(%arg0: i32) -> (i32, i32) {
    %c0_i32 = arith.constant 0 : i32
    %c0_i32_0 = arith.constant 0 : i32
    %c0_i32_1 = arith.constant 0 : i32
    return %c0_i32, %c0_i32_0 : i32, i32
  }
  func.func @transform_12(%arg0: i32) -> (i32, i32) {
    %c0_i32 = arith.constant 0 : i32
    %c0_i32_0 = arith.constant 0 : i32
    %c0_i32_1 = arith.constant 0 : i32
    return %c0_i32, %c0_i32_0 : i32, i32
  }
  func.func @transform_13(%arg0: i32) -> (i32, i32, i32) {
    %c0_i32 = arith.constant 0 : i32
    %c0_i32_0 = arith.constant 0 : i32
    %c0_i32_1 = arith.constant 0 : i32
    return %arg0, %c0_i32, %c0_i32_0 : i32, i32, i32
  }
}

module attributes {stable_mosaic.version = 14 : i64} {
  func.func @_route_kernel(%arg0: i32, %arg1: memref<1x196x384xf32, #tpu.memory_space<vmem>>, %arg2: memref<192x384xf32, #tpu.memory_space<vmem>>, %arg3: memref<1x192xf32, #tpu.memory_space<vmem>>, %arg4: memref<1x192xf32, #tpu.memory_space<vmem>>, %arg5: memref<8x384xf32, #tpu.memory_space<vmem>>, %arg6: memref<1x8xf32, #tpu.memory_space<vmem>>, %arg7: memref<1x104x384xf32, #tpu.memory_space<vmem>>, %arg8: memref<1x104x8xf32, #tpu.memory_space<vmem>>) attributes {dimension_semantics = [#tpu.dimension_semantics<arbitrary>], iteration_bounds = array<i64: 64>, scalar_prefetch = 0 : i64, scratch_operands = 0 : i64, tpu.core_type = #tpu.core_type<tc>, window_params = [{transform_indices = @transform_0, window_bounds = array<i64: 1, 196, 384>}, {pipeline_mode = #tpu.pipeline_mode<synchronous>, transform_indices = @transform_1, window_bounds = array<i64: 192, 384>}, {pipeline_mode = #tpu.pipeline_mode<synchronous>, transform_indices = @transform_2, window_bounds = array<i64: 1, 192>}, {pipeline_mode = #tpu.pipeline_mode<synchronous>, transform_indices = @transform_3, window_bounds = array<i64: 1, 192>}, {pipeline_mode = #tpu.pipeline_mode<synchronous>, transform_indices = @transform_4, window_bounds = array<i64: 8, 384>}, {pipeline_mode = #tpu.pipeline_mode<synchronous>, transform_indices = @transform_5, window_bounds = array<i64: 1, 8>}, {transform_indices = @transform_6, window_bounds = array<i64: 1, 104, 384>}, {transform_indices = @transform_7, window_bounds = array<i64: 1, 104, 8>}]} {
    %get3A = arith.constant 0 : index
    %get3A_0 = arith.constant 0 : index
    %get3A_1 = arith.constant 0 : index
    %get3A_2 = vector.load %arg1[%get3A, %get3A_0, %get3A_1] : memref<1x196x384xf32, #tpu.memory_space<vmem>>, vector<1x196x384xf32>
    %get3A_3 = vector.shape_cast %get3A_2 : vector<1x196x384xf32> to vector<196x384xf32>
    %get3A_4 = arith.constant 0 : index
    %get3A_5 = arith.constant 0 : index
    %get3A_6 = vector.load %arg2[%get3A_4, %get3A_5] : memref<192x384xf32, #tpu.memory_space<vmem>>, vector<192x384xf32>
    %dot_general3A = arith.constant dense<0.000000e+00> : vector<196x192xf32>
    %dot_general3A_7 = tpu.matmul %get3A_3, %get3A_6, %dot_general3A {dimension_numbers = #tpu.dot_dimension_numbers<[1], [1], [0], [0], [0, 0, 1, 0], [], []>, transpose_lhs_hint = false} : vector<196x384xf32>, vector<192x384xf32>, vector<196x192xf32> -> vector<196x192xf32>
    %get3A_8 = arith.constant 0 : index
    %get3A_9 = arith.constant 0 : index
    %get3A_10 = vector.load %arg3[%get3A_8, %get3A_9] : memref<1x192xf32, #tpu.memory_space<vmem>>, vector<1x192xf32>
    %add3A = vector.broadcast %get3A_10 : vector<1x192xf32> to vector<196x192xf32>
    %add3A_11 = arith.addf %dot_general3A_7, %add3A : vector<196x192xf32>
    %max3A = arith.constant 0.000000e+00 : f32
    %max3A_12 = vector.broadcast %max3A : f32 to vector<196x192xf32>
    %max3A_13 = arith.maximumf %add3A_11, %max3A_12 : vector<196x192xf32>
    %get3A_14 = arith.constant 0 : index
    %get3A_15 = arith.constant 0 : index
    %get3A_16 = vector.load %arg4[%get3A_14, %get3A_15] : memref<1x192xf32, #tpu.memory_space<vmem>>, vector<1x192xf32>
    %mul3A = vector.broadcast %get3A_16 : vector<1x192xf32> to vector<196x192xf32>
    %mul3A_17 = arith.mulf %max3A_13, %mul3A : vector<196x192xf32>
    %broadcast_in_dim3A = arith.constant 0.000000e+00 : f32
    %broadcast_in_dim3A_18 = vector.broadcast %broadcast_in_dim3A : f32 to vector<196x64xf32>
    %concatenate3A = tpu.concatenate %mul3A_17, %broadcast_in_dim3A_18 in 1 : vector<196x192xf32>, vector<196x64xf32> -> vector<196x256xf32>
    %slice3A = vector.extract_strided_slice %concatenate3A {offsets = [0, 0], sizes = [196, 128], strides = [1, 1]} : vector<196x256xf32> to vector<196x128xf32>
    %slice3A_19 = vector.extract_strided_slice %concatenate3A {offsets = [0, 128], sizes = [196, 128], strides = [1, 1]} : vector<196x256xf32> to vector<196x128xf32>
    %add3A_20 = arith.addf %slice3A, %slice3A_19 : vector<196x128xf32>
    %roll3A = arith.constant 127 : i32
    %roll3A_21 = tpu.dynamic_rotate %add3A_20 by %roll3A dim 1 : vector<196x128xf32>, i32 -> vector<196x128xf32>
    %add3A_22 = arith.addf %add3A_20, %roll3A_21 : vector<196x128xf32>
    %roll3A_23 = arith.constant 126 : i32
    %roll3A_24 = tpu.dynamic_rotate %add3A_22 by %roll3A_23 dim 1 : vector<196x128xf32>, i32 -> vector<196x128xf32>
    %add3A_25 = arith.addf %add3A_22, %roll3A_24 : vector<196x128xf32>
    %roll3A_26 = arith.constant 124 : i32
    %roll3A_27 = tpu.dynamic_rotate %add3A_25 by %roll3A_26 dim 1 : vector<196x128xf32>, i32 -> vector<196x128xf32>
    %add3A_28 = arith.addf %add3A_25, %roll3A_27 : vector<196x128xf32>
    %slice3A_29 = vector.extract_strided_slice %add3A_28 {offsets = [0, 0], sizes = [196, 8], strides = [1, 1]} : vector<196x128xf32> to vector<196x8xf32>
    %slice3A_30 = vector.extract_strided_slice %add3A_28 {offsets = [0, 8], sizes = [196, 8], strides = [1, 1]} : vector<196x128xf32> to vector<196x8xf32>
    %add3A_31 = arith.addf %slice3A_29, %slice3A_30 : vector<196x8xf32>
    %slice3A_32 = vector.extract_strided_slice %add3A_28 {offsets = [0, 16], sizes = [196, 8], strides = [1, 1]} : vector<196x128xf32> to vector<196x8xf32>
    %add3A_33 = arith.addf %add3A_31, %slice3A_32 : vector<196x8xf32>
    %slice3A_34 = vector.extract_strided_slice %add3A_28 {offsets = [0, 24], sizes = [196, 8], strides = [1, 1]} : vector<196x128xf32> to vector<196x8xf32>
    %add3A_35 = arith.addf %add3A_33, %slice3A_34 : vector<196x8xf32>
    %slice3A_36 = vector.extract_strided_slice %add3A_28 {offsets = [0, 32], sizes = [196, 8], strides = [1, 1]} : vector<196x128xf32> to vector<196x8xf32>
    %add3A_37 = arith.addf %add3A_35, %slice3A_36 : vector<196x8xf32>
    %slice3A_38 = vector.extract_strided_slice %add3A_28 {offsets = [0, 40], sizes = [196, 8], strides = [1, 1]} : vector<196x128xf32> to vector<196x8xf32>
    %add3A_39 = arith.addf %add3A_37, %slice3A_38 : vector<196x8xf32>
    %slice3A_40 = vector.extract_strided_slice %add3A_28 {offsets = [0, 48], sizes = [196, 8], strides = [1, 1]} : vector<196x128xf32> to vector<196x8xf32>
    %add3A_41 = arith.addf %add3A_39, %slice3A_40 : vector<196x8xf32>
    %slice3A_42 = vector.extract_strided_slice %add3A_28 {offsets = [0, 56], sizes = [196, 8], strides = [1, 1]} : vector<196x128xf32> to vector<196x8xf32>
    %add3A_43 = arith.addf %add3A_41, %slice3A_42 : vector<196x8xf32>
    %slice3A_44 = vector.extract_strided_slice %add3A_28 {offsets = [0, 64], sizes = [196, 8], strides = [1, 1]} : vector<196x128xf32> to vector<196x8xf32>
    %add3A_45 = arith.addf %add3A_43, %slice3A_44 : vector<196x8xf32>
    %slice3A_46 = vector.extract_strided_slice %add3A_28 {offsets = [0, 72], sizes = [196, 8], strides = [1, 1]} : vector<196x128xf32> to vector<196x8xf32>
    %add3A_47 = arith.addf %add3A_45, %slice3A_46 : vector<196x8xf32>
    %slice3A_48 = vector.extract_strided_slice %add3A_28 {offsets = [0, 80], sizes = [196, 8], strides = [1, 1]} : vector<196x128xf32> to vector<196x8xf32>
    %add3A_49 = arith.addf %add3A_47, %slice3A_48 : vector<196x8xf32>
    %slice3A_50 = vector.extract_strided_slice %add3A_28 {offsets = [0, 88], sizes = [196, 8], strides = [1, 1]} : vector<196x128xf32> to vector<196x8xf32>
    %add3A_51 = arith.addf %add3A_49, %slice3A_50 : vector<196x8xf32>
    %slice3A_52 = vector.extract_strided_slice %add3A_28 {offsets = [0, 96], sizes = [196, 8], strides = [1, 1]} : vector<196x128xf32> to vector<196x8xf32>
    %add3A_53 = arith.addf %add3A_51, %slice3A_52 : vector<196x8xf32>
    %slice3A_54 = vector.extract_strided_slice %add3A_28 {offsets = [0, 104], sizes = [196, 8], strides = [1, 1]} : vector<196x128xf32> to vector<196x8xf32>
    %add3A_55 = arith.addf %add3A_53, %slice3A_54 : vector<196x8xf32>
    %slice3A_56 = vector.extract_strided_slice %add3A_28 {offsets = [0, 112], sizes = [196, 8], strides = [1, 1]} : vector<196x128xf32> to vector<196x8xf32>
    %add3A_57 = arith.addf %add3A_55, %slice3A_56 : vector<196x8xf32>
    %slice3A_58 = vector.extract_strided_slice %add3A_28 {offsets = [0, 120], sizes = [196, 8], strides = [1, 1]} : vector<196x128xf32> to vector<196x8xf32>
    %add3A_59 = arith.addf %add3A_57, %slice3A_58 : vector<196x8xf32>
    %slice3A_60 = vector.extract_strided_slice %add3A_59 {offsets = [0, 0], sizes = [196, 1], strides = [1, 1]} : vector<196x8xf32> to vector<196x1xf32>
    %transpose3A = tpu.transpose %slice3A_60, [1, 0] : vector<196x1xf32> -> vector<1x196xf32>
    %iota3A = tpu.iota {dimensions = array<i32: 0>} : vector<196x196xi32>
    %iota3A_61 = tpu.iota {dimensions = array<i32: 1>} : vector<196x196xi32>
    %gt3A = vector.broadcast %transpose3A : vector<1x196xf32> to vector<196x196xf32>
    %gt3A_62 = vector.broadcast %slice3A_60 : vector<196x1xf32> to vector<196x196xf32>
    %gt3A_63 = arith.cmpf ogt, %gt3A, %gt3A_62 : vector<196x196xf32>
    %eq3A = vector.broadcast %transpose3A : vector<1x196xf32> to vector<196x196xf32>
    %eq3A_64 = vector.broadcast %slice3A_60 : vector<196x1xf32> to vector<196x196xf32>
    %eq3A_65 = arith.cmpf oeq, %eq3A, %eq3A_64 : vector<196x196xf32>
    %lt3A = arith.cmpi slt, %iota3A_61, %iota3A : vector<196x196xi32>
    %and3A = arith.andi %eq3A_65, %lt3A : vector<196x196xi1>
    %or3A = arith.ori %gt3A_63, %and3A : vector<196x196xi1>
    %convert_element_type3A = arith.extui %or3A : vector<196x196xi1> to vector<196x196xi32>
    %convert_element_type3A_66 = arith.sitofp %convert_element_type3A : vector<196x196xi32> to vector<196x196xf32>
    %reduce_sum3A = arith.constant dense<0.000000e+00> : vector<196xf32>
    %reduce_sum3A_67 = vector.multi_reduction <add>, %convert_element_type3A_66, %reduce_sum3A [1] : vector<196x196xf32> to vector<196xf32>
    %broadcast_in_dim3A_68 = vector.shape_cast %reduce_sum3A_67 : vector<196xf32> to vector<196x1xf32>
    %iota3A_69 = tpu.iota {dimensions = array<i32: 0>} : vector<104x196xi32>
    %convert_element_type3A_70 = arith.sitofp %iota3A_69 : vector<104x196xi32> to vector<104x196xf32>
    %transpose3A_71 = tpu.transpose %broadcast_in_dim3A_68, [1, 0] : vector<196x1xf32> -> vector<1x196xf32>
    %eq3A_72 = vector.broadcast %transpose3A_71 : vector<1x196xf32> to vector<104x196xf32>
    %eq3A_73 = arith.cmpf oeq, %eq3A_72, %convert_element_type3A_70 : vector<104x196xf32>
    %convert_element_type3A_74 = arith.extui %eq3A_73 : vector<104x196xi1> to vector<104x196xi32>
    %convert_element_type3A_75 = arith.sitofp %convert_element_type3A_74 : vector<104x196xi32> to vector<104x196xf32>
    %dot_general3A_76 = arith.constant dense<0.000000e+00> : vector<104x384xf32>
    %dot_general3A_77 = tpu.matmul %convert_element_type3A_75, %get3A_3, %dot_general3A_76 {dimension_numbers = #tpu.dot_dimension_numbers<[1], [0], [0], [1], [0, 0, 1, 1], [], []>, transpose_lhs_hint = false} : vector<104x196xf32>, vector<196x384xf32>, vector<104x384xf32> -> vector<104x384xf32>
    %swap3A = arith.constant 0 : index
    %swap3A_78 = arith.constant 0 : index
    %swap3A_79 = arith.constant 0 : index
    %swap3A_80 = vector.load %arg7[%swap3A, %swap3A_78, %swap3A_79] : memref<1x104x384xf32, #tpu.memory_space<vmem>>, vector<1x104x384xf32>
    %swap3A_81 = vector.shape_cast %swap3A_80 : vector<1x104x384xf32> to vector<104x384xf32>
    %swap3A_82 = vector.shape_cast %dot_general3A_77 : vector<104x384xf32> to vector<1x104x384xf32>
    tpu.vector_store %arg7[%swap3A, %swap3A_78, %swap3A_79], %swap3A_82 {strides = array<i32>} : memref<1x104x384xf32, #tpu.memory_space<vmem>>, vector<1x104x384xf32>,
    %get3A_83 = arith.constant 0 : index
    %get3A_84 = arith.constant 0 : index
    %get3A_85 = vector.load %arg5[%get3A_83, %get3A_84] : memref<8x384xf32, #tpu.memory_space<vmem>>, vector<8x384xf32>
    %dot_general3A_86 = arith.constant dense<0.000000e+00> : vector<104x8xf32>
    %dot_general3A_87 = tpu.matmul %dot_general3A_77, %get3A_85, %dot_general3A_86 {dimension_numbers = #tpu.dot_dimension_numbers<[1], [1], [0], [0], [0, 0, 1, 0], [], []>, transpose_lhs_hint = false} : vector<104x384xf32>, vector<8x384xf32>, vector<104x8xf32> -> vector<104x8xf32>
    %get3A_88 = arith.constant 0 : index
    %get3A_89 = arith.constant 0 : index
    %get3A_90 = vector.load %arg6[%get3A_88, %get3A_89] : memref<1x8xf32, #tpu.memory_space<vmem>>, vector<1x8xf32>
    %add3A_91 = vector.broadcast %get3A_90 : vector<1x8xf32> to vector<104x8xf32>
    %add3A_92 = arith.addf %dot_general3A_87, %add3A_91 : vector<104x8xf32>
    %iota3A_93 = tpu.iota {dimensions = array<i32: 1>} : vector<104x8xi32>
    %reduce_max3A = arith.constant dense<0xFF800000> : vector<104xf32>
    %reduce_max3A_94 = vector.multi_reduction <maximumf>, %add3A_92, %reduce_max3A [1] : vector<104x8xf32> to vector<104xf32>
    %broadcast_in_dim3A_95 = vector.shape_cast %reduce_max3A_94 : vector<104xf32> to vector<104x1xf32>
    %eq3A_96 = vector.broadcast %broadcast_in_dim3A_95 : vector<104x1xf32> to vector<104x8xf32>
    %eq3A_97 = arith.cmpf oeq, %add3A_92, %eq3A_96 : vector<104x8xf32>
    %jit3A = arith.constant 8 : i32
    %broadcast_in_dim3A_98 = vector.broadcast %jit3A : i32 to vector<104x8xi32>
    %select_n3A = arith.select %eq3A_97, %iota3A_93, %broadcast_in_dim3A_98 : vector<104x8xi1>, vector<104x8xi32>
    %reduce_min3A = arith.constant dense<2147483647> : vector<104xi32>
    %reduce_min3A_99 = vector.multi_reduction <minsi>, %select_n3A, %reduce_min3A [1] : vector<104x8xi32> to vector<104xi32>
    %broadcast_in_dim3A_100 = vector.shape_cast %reduce_min3A_99 : vector<104xi32> to vector<104x1xi32>
    %eq3A_101 = vector.broadcast %broadcast_in_dim3A_100 : vector<104x1xi32> to vector<104x8xi32>
    %eq3A_102 = arith.cmpi eq, %iota3A_93, %eq3A_101 : vector<104x8xi32>
    %jit3A_103 = arith.constant -1.000000e+30 : f32
    %broadcast_in_dim3A_104 = vector.broadcast %jit3A_103 : f32 to vector<104x8xf32>
    %select_n3A_105 = arith.select %eq3A_102, %broadcast_in_dim3A_104, %add3A_92 : vector<104x8xi1>, vector<104x8xf32>
    %reduce_max3A_106 = arith.constant dense<0xFF800000> : vector<104xf32>
    %reduce_max3A_107 = vector.multi_reduction <maximumf>, %select_n3A_105, %reduce_max3A_106 [1] : vector<104x8xf32> to vector<104xf32>
    %broadcast_in_dim3A_108 = vector.shape_cast %reduce_max3A_107 : vector<104xf32> to vector<104x1xf32>
    %eq3A_109 = vector.broadcast %broadcast_in_dim3A_108 : vector<104x1xf32> to vector<104x8xf32>
    %eq3A_110 = arith.cmpf oeq, %select_n3A_105, %eq3A_109 : vector<104x8xf32>
    %jit3A_111 = arith.constant 8 : i32
    %broadcast_in_dim3A_112 = vector.broadcast %jit3A_111 : i32 to vector<104x8xi32>
    %select_n3A_113 = arith.select %eq3A_110, %iota3A_93, %broadcast_in_dim3A_112 : vector<104x8xi1>, vector<104x8xi32>
    %reduce_min3A_114 = arith.constant dense<2147483647> : vector<104xi32>
    %reduce_min3A_115 = vector.multi_reduction <minsi>, %select_n3A_113, %reduce_min3A_114 [1] : vector<104x8xi32> to vector<104xi32>
    %broadcast_in_dim3A_116 = vector.shape_cast %reduce_min3A_115 : vector<104xi32> to vector<104x1xi32>
    %eq3A_117 = vector.broadcast %broadcast_in_dim3A_116 : vector<104x1xi32> to vector<104x8xi32>
    %eq3A_118 = arith.cmpi eq, %iota3A_93, %eq3A_117 : vector<104x8xi32>
    %sub3A = arith.subf %broadcast_in_dim3A_108, %broadcast_in_dim3A_95 : vector<104x1xf32>
    %exp3A = math.exp %sub3A : vector<104x1xf32>
    %add3A_119 = arith.constant 1.000000e+00 : f32
    %add3A_120 = vector.broadcast %add3A_119 : f32 to vector<104x1xf32>
    %add3A_121 = arith.addf %add3A_120, %exp3A : vector<104x1xf32>
    %div3A = arith.constant 1.000000e+00 : f32
    %div3A_122 = vector.broadcast %div3A : f32 to vector<104x1xf32>
    %div3A_123 = arith.divf %div3A_122, %add3A_121 : vector<104x1xf32>
    %add3A_124 = arith.constant 1.000000e+00 : f32
    %add3A_125 = vector.broadcast %add3A_124 : f32 to vector<104x1xf32>
    %add3A_126 = arith.addf %add3A_125, %exp3A : vector<104x1xf32>
    %div3A_127 = arith.divf %exp3A, %add3A_126 : vector<104x1xf32>
    %iota3A_128 = tpu.iota {dimensions = array<i32: 0>} : vector<104x8xi32>
    %lt3A_129 = arith.constant 98 : i32
    %lt3A_130 = vector.broadcast %lt3A_129 : i32 to vector<104x8xi32>
    %lt3A_131 = arith.cmpi slt, %iota3A_128, %lt3A_130 : vector<104x8xi32>
    %jit3A_132 = arith.constant 0.000000e+00 : f32
    %broadcast_in_dim3A_133 = vector.shape_cast %div3A_123 : vector<104x1xf32> to vector<104x1xf32>
    %broadcast_in_dim3A_134 = vector.broadcast %broadcast_in_dim3A_133 : vector<104x1xf32> to vector<104x8xf32>
    %broadcast_in_dim3A_135 = vector.broadcast %jit3A_132 : f32 to vector<104x8xf32>
    %select_n3A_136 = arith.select %eq3A_102, %broadcast_in_dim3A_134, %broadcast_in_dim3A_135 : vector<104x8xi1>, vector<104x8xf32>
    %jit3A_137 = arith.constant 0.000000e+00 : f32
    %broadcast_in_dim3A_138 = vector.shape_cast %div3A_127 : vector<104x1xf32> to vector<104x1xf32>
    %broadcast_in_dim3A_139 = vector.broadcast %broadcast_in_dim3A_138 : vector<104x1xf32> to vector<104x8xf32>
    %broadcast_in_dim3A_140 = vector.broadcast %jit3A_137 : f32 to vector<104x8xf32>
    %select_n3A_141 = arith.select %eq3A_118, %broadcast_in_dim3A_139, %broadcast_in_dim3A_140 : vector<104x8xi1>, vector<104x8xf32>
    %add3A_142 = arith.addf %select_n3A_136, %select_n3A_141 : vector<104x8xf32>
    %jit3A_143 = arith.constant 0.000000e+00 : f32
    %broadcast_in_dim3A_144 = vector.broadcast %jit3A_143 : f32 to vector<104x8xf32>
    %select_n3A_145 = arith.select %lt3A_131, %add3A_142, %broadcast_in_dim3A_144 : vector<104x8xi1>, vector<104x8xf32>
    %swap3A_146 = arith.constant 0 : index
    %swap3A_147 = arith.constant 0 : index
    %swap3A_148 = arith.constant 0 : index
    %swap3A_149 = vector.load %arg8[%swap3A_146, %swap3A_147, %swap3A_148] : memref<1x104x8xf32, #tpu.memory_space<vmem>>, vector<1x104x8xf32>
    %swap3A_150 = vector.shape_cast %swap3A_149 : vector<1x104x8xf32> to vector<104x8xf32>
    %swap3A_151 = vector.shape_cast %select_n3A_145 : vector<104x8xf32> to vector<1x104x8xf32>
    tpu.vector_store %arg8[%swap3A_146, %swap3A_147, %swap3A_148], %swap3A_151 {strides = array<i32>} : memref<1x104x8xf32, #tpu.memory_space<vmem>>, vector<1x104x8xf32>,
    return
  }
  func.func @transform_0(%arg0: i32) -> (i32, i32, i32) {
    %c0_i32 = arith.constant 0 : i32
    %c0_i32_0 = arith.constant 0 : i32
    %c0_i32_1 = arith.constant 0 : i32
    return %arg0, %c0_i32, %c0_i32_0 : i32, i32, i32
  }
  func.func @transform_1(%arg0: i32) -> (i32, i32) {
    %c0_i32 = arith.constant 0 : i32
    %c0_i32_0 = arith.constant 0 : i32
    %c0_i32_1 = arith.constant 0 : i32
    return %c0_i32, %c0_i32_0 : i32, i32
  }
  func.func @transform_2(%arg0: i32) -> (i32, i32) {
    %c0_i32 = arith.constant 0 : i32
    %c0_i32_0 = arith.constant 0 : i32
    %c0_i32_1 = arith.constant 0 : i32
    return %c0_i32, %c0_i32_0 : i32, i32
  }
  func.func @transform_3(%arg0: i32) -> (i32, i32) {
    %c0_i32 = arith.constant 0 : i32
    %c0_i32_0 = arith.constant 0 : i32
    %c0_i32_1 = arith.constant 0 : i32
    return %c0_i32, %c0_i32_0 : i32, i32
  }
  func.func @transform_4(%arg0: i32) -> (i32, i32) {
    %c0_i32 = arith.constant 0 : i32
    %c0_i32_0 = arith.constant 0 : i32
    %c0_i32_1 = arith.constant 0 : i32
    return %c0_i32, %c0_i32_0 : i32, i32
  }
  func.func @transform_5(%arg0: i32) -> (i32, i32) {
    %c0_i32 = arith.constant 0 : i32
    %c0_i32_0 = arith.constant 0 : i32
    %c0_i32_1 = arith.constant 0 : i32
    return %c0_i32, %c0_i32_0 : i32, i32
  }
  func.func @transform_6(%arg0: i32) -> (i32, i32, i32) {
    %c0_i32 = arith.constant 0 : i32
    %c0_i32_0 = arith.constant 0 : i32
    %c0_i32_1 = arith.constant 0 : i32
    return %arg0, %c0_i32, %c0_i32_0 : i32, i32, i32
  }
  func.func @transform_7(%arg0: i32) -> (i32, i32, i32) {
    %c0_i32 = arith.constant 0 : i32
    %c0_i32_0 = arith.constant 0 : i32
    %c0_i32_1 = arith.constant 0 : i32
    return %arg0, %c0_i32, %c0_i32_0 : i32, i32, i32
  }
}

module attributes {stable_mosaic.version = 14 : i64} {
  func.func @_expert_kernel(%arg0: i32, %arg1: memref<1x104x384xf32, #tpu.memory_space<vmem>>, %arg2: memref<1x104x8xf32, #tpu.memory_space<vmem>>, %arg3: memref<8x256x384xf32, #tpu.memory_space<vmem>>, %arg4: memref<8x256xf32, #tpu.memory_space<vmem>>, %arg5: memref<8x256x256xf32, #tpu.memory_space<vmem>>, %arg6: memref<8x256xf32, #tpu.memory_space<vmem>>, %arg7: memref<8x256x256xf32, #tpu.memory_space<vmem>>, %arg8: memref<8x256xf32, #tpu.memory_space<vmem>>, %arg9: memref<1x1x256xf32, #tpu.memory_space<vmem>>) attributes {dimension_semantics = [#tpu.dimension_semantics<arbitrary>], iteration_bounds = array<i64: 64>, scalar_prefetch = 0 : i64, scratch_operands = 0 : i64, tpu.core_type = #tpu.core_type<tc>, window_params = [{transform_indices = @transform_0, window_bounds = array<i64: 1, 104, 384>}, {transform_indices = @transform_1, window_bounds = array<i64: 1, 104, 8>}, {pipeline_mode = #tpu.pipeline_mode<synchronous>, transform_indices = @transform_2, window_bounds = array<i64: 8, 256, 384>}, {pipeline_mode = #tpu.pipeline_mode<synchronous>, transform_indices = @transform_3, window_bounds = array<i64: 8, 256>}, {pipeline_mode = #tpu.pipeline_mode<synchronous>, transform_indices = @transform_4, window_bounds = array<i64: 8, 256, 256>}, {pipeline_mode = #tpu.pipeline_mode<synchronous>, transform_indices = @transform_5, window_bounds = array<i64: 8, 256>}, {pipeline_mode = #tpu.pipeline_mode<synchronous>, transform_indices = @transform_6, window_bounds = array<i64: 8, 256, 256>}, {pipeline_mode = #tpu.pipeline_mode<synchronous>, transform_indices = @transform_7, window_bounds = array<i64: 8, 256>}, {transform_indices = @transform_8, window_bounds = array<i64: 1, 1, 256>}]} {
    %get3A = arith.constant 0 : index
    %get3A_0 = arith.constant 0 : index
    %get3A_1 = arith.constant 0 : index
    %get3A_2 = vector.load %arg1[%get3A, %get3A_0, %get3A_1] : memref<1x104x384xf32, #tpu.memory_space<vmem>>, vector<1x104x384xf32>
    %get3A_3 = vector.shape_cast %get3A_2 : vector<1x104x384xf32> to vector<104x384xf32>
    %get3A_4 = arith.constant 0 : index
    %get3A_5 = arith.constant 0 : index
    %get3A_6 = arith.constant 0 : index
    %get3A_7 = vector.load %arg2[%get3A_4, %get3A_5, %get3A_6] : memref<1x104x8xf32, #tpu.memory_space<vmem>>, vector<1x104x8xf32>
    %get3A_8 = vector.shape_cast %get3A_7 : vector<1x104x8xf32> to vector<104x8xf32>
    %broadcast_in_dim3A = arith.constant 0.000000e+00 : f32
    %broadcast_in_dim3A_9 = vector.broadcast %broadcast_in_dim3A : f32 to vector<104x256xf32>
    %get3A_10 = arith.constant 0 : index
    %get3A_11 = arith.constant 0 : index
    %get3A_12 = arith.constant 0 : index
    %get3A_13 = vector.load %arg3[%get3A_10, %get3A_11, %get3A_12] : memref<8x256x384xf32, #tpu.memory_space<vmem>>, vector<1x256x384xf32>
    %get3A_14 = vector.shape_cast %get3A_13 : vector<1x256x384xf32> to vector<256x384xf32>
    %dot_general3A = arith.constant dense<0.000000e+00> : vector<104x256xf32>
    %dot_general3A_15 = tpu.matmul %get3A_3, %get3A_14, %dot_general3A {dimension_numbers = #tpu.dot_dimension_numbers<[1], [1], [0], [0], [0, 0, 1, 0], [], []>, transpose_lhs_hint = false} : vector<104x384xf32>, vector<256x384xf32>, vector<104x256xf32> -> vector<104x256xf32>
    %get3A_16 = arith.constant 0 : index
    %get3A_17 = arith.constant 0 : index
    %get3A_18 = vector.load %arg4[%get3A_16, %get3A_17] : memref<8x256xf32, #tpu.memory_space<vmem>>, vector<1x256xf32>
    %add3A = vector.broadcast %get3A_18 : vector<1x256xf32> to vector<104x256xf32>
    %add3A_19 = arith.addf %dot_general3A_15, %add3A : vector<104x256xf32>
    %mul3A = arith.constant 5.000000e-01 : f32
    %mul3A_20 = vector.broadcast %mul3A : f32 to vector<104x256xf32>
    %mul3A_21 = arith.mulf %mul3A_20, %add3A_19 : vector<104x256xf32>
    %mul3A_22 = arith.constant 0.707106769 : f32
    %mul3A_23 = vector.broadcast %mul3A_22 : f32 to vector<104x256xf32>
    %mul3A_24 = arith.mulf %add3A_19, %mul3A_23 : vector<104x256xf32>
    %erf3A = math.erf %mul3A_24 : vector<104x256xf32>
    %add3A_25 = arith.constant 1.000000e+00 : f32
    %add3A_26 = vector.broadcast %add3A_25 : f32 to vector<104x256xf32>
    %add3A_27 = arith.addf %add3A_26, %erf3A : vector<104x256xf32>
    %mul3A_28 = arith.mulf %mul3A_21, %add3A_27 : vector<104x256xf32>
    %get3A_29 = arith.constant 0 : index
    %get3A_30 = arith.constant 0 : index
    %get3A_31 = arith.constant 0 : index
    %get3A_32 = vector.load %arg5[%get3A_29, %get3A_30, %get3A_31] : memref<8x256x256xf32, #tpu.memory_space<vmem>>, vector<1x256x256xf32>
    %get3A_33 = vector.shape_cast %get3A_32 : vector<1x256x256xf32> to vector<256x256xf32>
    %dot_general3A_34 = arith.constant dense<0.000000e+00> : vector<104x256xf32>
    %dot_general3A_35 = tpu.matmul %mul3A_28, %get3A_33, %dot_general3A_34 {dimension_numbers = #tpu.dot_dimension_numbers<[1], [1], [0], [0], [0, 0, 1, 0], [], []>, transpose_lhs_hint = false} : vector<104x256xf32>, vector<256x256xf32>, vector<104x256xf32> -> vector<104x256xf32>
    %get3A_36 = arith.constant 0 : index
    %get3A_37 = arith.constant 0 : index
    %get3A_38 = vector.load %arg6[%get3A_36, %get3A_37] : memref<8x256xf32, #tpu.memory_space<vmem>>, vector<1x256xf32>
    %add3A_39 = vector.broadcast %get3A_38 : vector<1x256xf32> to vector<104x256xf32>
    %add3A_40 = arith.addf %dot_general3A_35, %add3A_39 : vector<104x256xf32>
    %mul3A_41 = arith.constant 5.000000e-01 : f32
    %mul3A_42 = vector.broadcast %mul3A_41 : f32 to vector<104x256xf32>
    %mul3A_43 = arith.mulf %mul3A_42, %add3A_40 : vector<104x256xf32>
    %mul3A_44 = arith.constant 0.707106769 : f32
    %mul3A_45 = vector.broadcast %mul3A_44 : f32 to vector<104x256xf32>
    %mul3A_46 = arith.mulf %add3A_40, %mul3A_45 : vector<104x256xf32>
    %erf3A_47 = math.erf %mul3A_46 : vector<104x256xf32>
    %add3A_48 = arith.constant 1.000000e+00 : f32
    %add3A_49 = vector.broadcast %add3A_48 : f32 to vector<104x256xf32>
    %add3A_50 = arith.addf %add3A_49, %erf3A_47 : vector<104x256xf32>
    %mul3A_51 = arith.mulf %mul3A_43, %add3A_50 : vector<104x256xf32>
    %get3A_52 = arith.constant 0 : index
    %get3A_53 = arith.constant 0 : index
    %get3A_54 = arith.constant 0 : index
    %get3A_55 = vector.load %arg7[%get3A_52, %get3A_53, %get3A_54] : memref<8x256x256xf32, #tpu.memory_space<vmem>>, vector<1x256x256xf32>
    %get3A_56 = vector.shape_cast %get3A_55 : vector<1x256x256xf32> to vector<256x256xf32>
    %dot_general3A_57 = arith.constant dense<0.000000e+00> : vector<104x256xf32>
    %dot_general3A_58 = tpu.matmul %mul3A_51, %get3A_56, %dot_general3A_57 {dimension_numbers = #tpu.dot_dimension_numbers<[1], [1], [0], [0], [0, 0, 1, 0], [], []>, transpose_lhs_hint = false} : vector<104x256xf32>, vector<256x256xf32>, vector<104x256xf32> -> vector<104x256xf32>
    %get3A_59 = arith.constant 0 : index
    %get3A_60 = arith.constant 0 : index
    %get3A_61 = vector.load %arg8[%get3A_59, %get3A_60] : memref<8x256xf32, #tpu.memory_space<vmem>>, vector<1x256xf32>
    %add3A_62 = vector.broadcast %get3A_61 : vector<1x256xf32> to vector<104x256xf32>
    %add3A_63 = arith.addf %dot_general3A_58, %add3A_62 : vector<104x256xf32>
    %slice3A = vector.extract_strided_slice %get3A_8 {offsets = [0, 0], sizes = [104, 1], strides = [1, 1]} : vector<104x8xf32> to vector<104x1xf32>
    %mul3A_64 = vector.broadcast %slice3A : vector<104x1xf32> to vector<104x256xf32>
    %mul3A_65 = arith.mulf %add3A_63, %mul3A_64 : vector<104x256xf32>
    %add3A_66 = arith.addf %broadcast_in_dim3A_9, %mul3A_65 : vector<104x256xf32>
    %get3A_67 = arith.constant 1 : index
    %get3A_68 = arith.constant 0 : index
    %get3A_69 = arith.constant 0 : index
    %get3A_70 = vector.load %arg3[%get3A_67, %get3A_68, %get3A_69] : memref<8x256x384xf32, #tpu.memory_space<vmem>>, vector<1x256x384xf32>
    %get3A_71 = vector.shape_cast %get3A_70 : vector<1x256x384xf32> to vector<256x384xf32>
    %dot_general3A_72 = arith.constant dense<0.000000e+00> : vector<104x256xf32>
    %dot_general3A_73 = tpu.matmul %get3A_3, %get3A_71, %dot_general3A_72 {dimension_numbers = #tpu.dot_dimension_numbers<[1], [1], [0], [0], [0, 0, 1, 0], [], []>, transpose_lhs_hint = false} : vector<104x384xf32>, vector<256x384xf32>, vector<104x256xf32> -> vector<104x256xf32>
    %get3A_74 = arith.constant 1 : index
    %get3A_75 = arith.constant 0 : index
    %get3A_76 = vector.load %arg4[%get3A_74, %get3A_75] : memref<8x256xf32, #tpu.memory_space<vmem>>, vector<1x256xf32>
    %add3A_77 = vector.broadcast %get3A_76 : vector<1x256xf32> to vector<104x256xf32>
    %add3A_78 = arith.addf %dot_general3A_73, %add3A_77 : vector<104x256xf32>
    %mul3A_79 = arith.constant 5.000000e-01 : f32
    %mul3A_80 = vector.broadcast %mul3A_79 : f32 to vector<104x256xf32>
    %mul3A_81 = arith.mulf %mul3A_80, %add3A_78 : vector<104x256xf32>
    %mul3A_82 = arith.constant 0.707106769 : f32
    %mul3A_83 = vector.broadcast %mul3A_82 : f32 to vector<104x256xf32>
    %mul3A_84 = arith.mulf %add3A_78, %mul3A_83 : vector<104x256xf32>
    %erf3A_85 = math.erf %mul3A_84 : vector<104x256xf32>
    %add3A_86 = arith.constant 1.000000e+00 : f32
    %add3A_87 = vector.broadcast %add3A_86 : f32 to vector<104x256xf32>
    %add3A_88 = arith.addf %add3A_87, %erf3A_85 : vector<104x256xf32>
    %mul3A_89 = arith.mulf %mul3A_81, %add3A_88 : vector<104x256xf32>
    %get3A_90 = arith.constant 1 : index
    %get3A_91 = arith.constant 0 : index
    %get3A_92 = arith.constant 0 : index
    %get3A_93 = vector.load %arg5[%get3A_90, %get3A_91, %get3A_92] : memref<8x256x256xf32, #tpu.memory_space<vmem>>, vector<1x256x256xf32>
    %get3A_94 = vector.shape_cast %get3A_93 : vector<1x256x256xf32> to vector<256x256xf32>
    %dot_general3A_95 = arith.constant dense<0.000000e+00> : vector<104x256xf32>
    %dot_general3A_96 = tpu.matmul %mul3A_89, %get3A_94, %dot_general3A_95 {dimension_numbers = #tpu.dot_dimension_numbers<[1], [1], [0], [0], [0, 0, 1, 0], [], []>, transpose_lhs_hint = false} : vector<104x256xf32>, vector<256x256xf32>, vector<104x256xf32> -> vector<104x256xf32>
    %get3A_97 = arith.constant 1 : index
    %get3A_98 = arith.constant 0 : index
    %get3A_99 = vector.load %arg6[%get3A_97, %get3A_98] : memref<8x256xf32, #tpu.memory_space<vmem>>, vector<1x256xf32>
    %add3A_100 = vector.broadcast %get3A_99 : vector<1x256xf32> to vector<104x256xf32>
    %add3A_101 = arith.addf %dot_general3A_96, %add3A_100 : vector<104x256xf32>
    %mul3A_102 = arith.constant 5.000000e-01 : f32
    %mul3A_103 = vector.broadcast %mul3A_102 : f32 to vector<104x256xf32>
    %mul3A_104 = arith.mulf %mul3A_103, %add3A_101 : vector<104x256xf32>
    %mul3A_105 = arith.constant 0.707106769 : f32
    %mul3A_106 = vector.broadcast %mul3A_105 : f32 to vector<104x256xf32>
    %mul3A_107 = arith.mulf %add3A_101, %mul3A_106 : vector<104x256xf32>
    %erf3A_108 = math.erf %mul3A_107 : vector<104x256xf32>
    %add3A_109 = arith.constant 1.000000e+00 : f32
    %add3A_110 = vector.broadcast %add3A_109 : f32 to vector<104x256xf32>
    %add3A_111 = arith.addf %add3A_110, %erf3A_108 : vector<104x256xf32>
    %mul3A_112 = arith.mulf %mul3A_104, %add3A_111 : vector<104x256xf32>
    %get3A_113 = arith.constant 1 : index
    %get3A_114 = arith.constant 0 : index
    %get3A_115 = arith.constant 0 : index
    %get3A_116 = vector.load %arg7[%get3A_113, %get3A_114, %get3A_115] : memref<8x256x256xf32, #tpu.memory_space<vmem>>, vector<1x256x256xf32>
    %get3A_117 = vector.shape_cast %get3A_116 : vector<1x256x256xf32> to vector<256x256xf32>
    %dot_general3A_118 = arith.constant dense<0.000000e+00> : vector<104x256xf32>
    %dot_general3A_119 = tpu.matmul %mul3A_112, %get3A_117, %dot_general3A_118 {dimension_numbers = #tpu.dot_dimension_numbers<[1], [1], [0], [0], [0, 0, 1, 0], [], []>, transpose_lhs_hint = false} : vector<104x256xf32>, vector<256x256xf32>, vector<104x256xf32> -> vector<104x256xf32>
    %get3A_120 = arith.constant 1 : index
    %get3A_121 = arith.constant 0 : index
    %get3A_122 = vector.load %arg8[%get3A_120, %get3A_121] : memref<8x256xf32, #tpu.memory_space<vmem>>, vector<1x256xf32>
    %add3A_123 = vector.broadcast %get3A_122 : vector<1x256xf32> to vector<104x256xf32>
    %add3A_124 = arith.addf %dot_general3A_119, %add3A_123 : vector<104x256xf32>
    %slice3A_125 = vector.extract_strided_slice %get3A_8 {offsets = [0, 1], sizes = [104, 1], strides = [1, 1]} : vector<104x8xf32> to vector<104x1xf32>
    %mul3A_126 = vector.broadcast %slice3A_125 : vector<104x1xf32> to vector<104x256xf32>
    %mul3A_127 = arith.mulf %add3A_124, %mul3A_126 : vector<104x256xf32>
    %add3A_128 = arith.addf %add3A_66, %mul3A_127 : vector<104x256xf32>
    %get3A_129 = arith.constant 2 : index
    %get3A_130 = arith.constant 0 : index
    %get3A_131 = arith.constant 0 : index
    %get3A_132 = vector.load %arg3[%get3A_129, %get3A_130, %get3A_131] : memref<8x256x384xf32, #tpu.memory_space<vmem>>, vector<1x256x384xf32>
    %get3A_133 = vector.shape_cast %get3A_132 : vector<1x256x384xf32> to vector<256x384xf32>
    %dot_general3A_134 = arith.constant dense<0.000000e+00> : vector<104x256xf32>
    %dot_general3A_135 = tpu.matmul %get3A_3, %get3A_133, %dot_general3A_134 {dimension_numbers = #tpu.dot_dimension_numbers<[1], [1], [0], [0], [0, 0, 1, 0], [], []>, transpose_lhs_hint = false} : vector<104x384xf32>, vector<256x384xf32>, vector<104x256xf32> -> vector<104x256xf32>
    %get3A_136 = arith.constant 2 : index
    %get3A_137 = arith.constant 0 : index
    %get3A_138 = vector.load %arg4[%get3A_136, %get3A_137] : memref<8x256xf32, #tpu.memory_space<vmem>>, vector<1x256xf32>
    %add3A_139 = vector.broadcast %get3A_138 : vector<1x256xf32> to vector<104x256xf32>
    %add3A_140 = arith.addf %dot_general3A_135, %add3A_139 : vector<104x256xf32>
    %mul3A_141 = arith.constant 5.000000e-01 : f32
    %mul3A_142 = vector.broadcast %mul3A_141 : f32 to vector<104x256xf32>
    %mul3A_143 = arith.mulf %mul3A_142, %add3A_140 : vector<104x256xf32>
    %mul3A_144 = arith.constant 0.707106769 : f32
    %mul3A_145 = vector.broadcast %mul3A_144 : f32 to vector<104x256xf32>
    %mul3A_146 = arith.mulf %add3A_140, %mul3A_145 : vector<104x256xf32>
    %erf3A_147 = math.erf %mul3A_146 : vector<104x256xf32>
    %add3A_148 = arith.constant 1.000000e+00 : f32
    %add3A_149 = vector.broadcast %add3A_148 : f32 to vector<104x256xf32>
    %add3A_150 = arith.addf %add3A_149, %erf3A_147 : vector<104x256xf32>
    %mul3A_151 = arith.mulf %mul3A_143, %add3A_150 : vector<104x256xf32>
    %get3A_152 = arith.constant 2 : index
    %get3A_153 = arith.constant 0 : index
    %get3A_154 = arith.constant 0 : index
    %get3A_155 = vector.load %arg5[%get3A_152, %get3A_153, %get3A_154] : memref<8x256x256xf32, #tpu.memory_space<vmem>>, vector<1x256x256xf32>
    %get3A_156 = vector.shape_cast %get3A_155 : vector<1x256x256xf32> to vector<256x256xf32>
    %dot_general3A_157 = arith.constant dense<0.000000e+00> : vector<104x256xf32>
    %dot_general3A_158 = tpu.matmul %mul3A_151, %get3A_156, %dot_general3A_157 {dimension_numbers = #tpu.dot_dimension_numbers<[1], [1], [0], [0], [0, 0, 1, 0], [], []>, transpose_lhs_hint = false} : vector<104x256xf32>, vector<256x256xf32>, vector<104x256xf32> -> vector<104x256xf32>
    %get3A_159 = arith.constant 2 : index
    %get3A_160 = arith.constant 0 : index
    %get3A_161 = vector.load %arg6[%get3A_159, %get3A_160] : memref<8x256xf32, #tpu.memory_space<vmem>>, vector<1x256xf32>
    %add3A_162 = vector.broadcast %get3A_161 : vector<1x256xf32> to vector<104x256xf32>
    %add3A_163 = arith.addf %dot_general3A_158, %add3A_162 : vector<104x256xf32>
    %mul3A_164 = arith.constant 5.000000e-01 : f32
    %mul3A_165 = vector.broadcast %mul3A_164 : f32 to vector<104x256xf32>
    %mul3A_166 = arith.mulf %mul3A_165, %add3A_163 : vector<104x256xf32>
    %mul3A_167 = arith.constant 0.707106769 : f32
    %mul3A_168 = vector.broadcast %mul3A_167 : f32 to vector<104x256xf32>
    %mul3A_169 = arith.mulf %add3A_163, %mul3A_168 : vector<104x256xf32>
    %erf3A_170 = math.erf %mul3A_169 : vector<104x256xf32>
    %add3A_171 = arith.constant 1.000000e+00 : f32
    %add3A_172 = vector.broadcast %add3A_171 : f32 to vector<104x256xf32>
    %add3A_173 = arith.addf %add3A_172, %erf3A_170 : vector<104x256xf32>
    %mul3A_174 = arith.mulf %mul3A_166, %add3A_173 : vector<104x256xf32>
    %get3A_175 = arith.constant 2 : index
    %get3A_176 = arith.constant 0 : index
    %get3A_177 = arith.constant 0 : index
    %get3A_178 = vector.load %arg7[%get3A_175, %get3A_176, %get3A_177] : memref<8x256x256xf32, #tpu.memory_space<vmem>>, vector<1x256x256xf32>
    %get3A_179 = vector.shape_cast %get3A_178 : vector<1x256x256xf32> to vector<256x256xf32>
    %dot_general3A_180 = arith.constant dense<0.000000e+00> : vector<104x256xf32>
    %dot_general3A_181 = tpu.matmul %mul3A_174, %get3A_179, %dot_general3A_180 {dimension_numbers = #tpu.dot_dimension_numbers<[1], [1], [0], [0], [0, 0, 1, 0], [], []>, transpose_lhs_hint = false} : vector<104x256xf32>, vector<256x256xf32>, vector<104x256xf32> -> vector<104x256xf32>
    %get3A_182 = arith.constant 2 : index
    %get3A_183 = arith.constant 0 : index
    %get3A_184 = vector.load %arg8[%get3A_182, %get3A_183] : memref<8x256xf32, #tpu.memory_space<vmem>>, vector<1x256xf32>
    %add3A_185 = vector.broadcast %get3A_184 : vector<1x256xf32> to vector<104x256xf32>
    %add3A_186 = arith.addf %dot_general3A_181, %add3A_185 : vector<104x256xf32>
    %slice3A_187 = vector.extract_strided_slice %get3A_8 {offsets = [0, 2], sizes = [104, 1], strides = [1, 1]} : vector<104x8xf32> to vector<104x1xf32>
    %mul3A_188 = vector.broadcast %slice3A_187 : vector<104x1xf32> to vector<104x256xf32>
    %mul3A_189 = arith.mulf %add3A_186, %mul3A_188 : vector<104x256xf32>
    %add3A_190 = arith.addf %add3A_128, %mul3A_189 : vector<104x256xf32>
    %get3A_191 = arith.constant 3 : index
    %get3A_192 = arith.constant 0 : index
    %get3A_193 = arith.constant 0 : index
    %get3A_194 = vector.load %arg3[%get3A_191, %get3A_192, %get3A_193] : memref<8x256x384xf32, #tpu.memory_space<vmem>>, vector<1x256x384xf32>
    %get3A_195 = vector.shape_cast %get3A_194 : vector<1x256x384xf32> to vector<256x384xf32>
    %dot_general3A_196 = arith.constant dense<0.000000e+00> : vector<104x256xf32>
    %dot_general3A_197 = tpu.matmul %get3A_3, %get3A_195, %dot_general3A_196 {dimension_numbers = #tpu.dot_dimension_numbers<[1], [1], [0], [0], [0, 0, 1, 0], [], []>, transpose_lhs_hint = false} : vector<104x384xf32>, vector<256x384xf32>, vector<104x256xf32> -> vector<104x256xf32>
    %get3A_198 = arith.constant 3 : index
    %get3A_199 = arith.constant 0 : index
    %get3A_200 = vector.load %arg4[%get3A_198, %get3A_199] : memref<8x256xf32, #tpu.memory_space<vmem>>, vector<1x256xf32>
    %add3A_201 = vector.broadcast %get3A_200 : vector<1x256xf32> to vector<104x256xf32>
    %add3A_202 = arith.addf %dot_general3A_197, %add3A_201 : vector<104x256xf32>
    %mul3A_203 = arith.constant 5.000000e-01 : f32
    %mul3A_204 = vector.broadcast %mul3A_203 : f32 to vector<104x256xf32>
    %mul3A_205 = arith.mulf %mul3A_204, %add3A_202 : vector<104x256xf32>
    %mul3A_206 = arith.constant 0.707106769 : f32
    %mul3A_207 = vector.broadcast %mul3A_206 : f32 to vector<104x256xf32>
    %mul3A_208 = arith.mulf %add3A_202, %mul3A_207 : vector<104x256xf32>
    %erf3A_209 = math.erf %mul3A_208 : vector<104x256xf32>
    %add3A_210 = arith.constant 1.000000e+00 : f32
    %add3A_211 = vector.broadcast %add3A_210 : f32 to vector<104x256xf32>
    %add3A_212 = arith.addf %add3A_211, %erf3A_209 : vector<104x256xf32>
    %mul3A_213 = arith.mulf %mul3A_205, %add3A_212 : vector<104x256xf32>
    %get3A_214 = arith.constant 3 : index
    %get3A_215 = arith.constant 0 : index
    %get3A_216 = arith.constant 0 : index
    %get3A_217 = vector.load %arg5[%get3A_214, %get3A_215, %get3A_216] : memref<8x256x256xf32, #tpu.memory_space<vmem>>, vector<1x256x256xf32>
    %get3A_218 = vector.shape_cast %get3A_217 : vector<1x256x256xf32> to vector<256x256xf32>
    %dot_general3A_219 = arith.constant dense<0.000000e+00> : vector<104x256xf32>
    %dot_general3A_220 = tpu.matmul %mul3A_213, %get3A_218, %dot_general3A_219 {dimension_numbers = #tpu.dot_dimension_numbers<[1], [1], [0], [0], [0, 0, 1, 0], [], []>, transpose_lhs_hint = false} : vector<104x256xf32>, vector<256x256xf32>, vector<104x256xf32> -> vector<104x256xf32>
    %get3A_221 = arith.constant 3 : index
    %get3A_222 = arith.constant 0 : index
    %get3A_223 = vector.load %arg6[%get3A_221, %get3A_222] : memref<8x256xf32, #tpu.memory_space<vmem>>, vector<1x256xf32>
    %add3A_224 = vector.broadcast %get3A_223 : vector<1x256xf32> to vector<104x256xf32>
    %add3A_225 = arith.addf %dot_general3A_220, %add3A_224 : vector<104x256xf32>
    %mul3A_226 = arith.constant 5.000000e-01 : f32
    %mul3A_227 = vector.broadcast %mul3A_226 : f32 to vector<104x256xf32>
    %mul3A_228 = arith.mulf %mul3A_227, %add3A_225 : vector<104x256xf32>
    %mul3A_229 = arith.constant 0.707106769 : f32
    %mul3A_230 = vector.broadcast %mul3A_229 : f32 to vector<104x256xf32>
    %mul3A_231 = arith.mulf %add3A_225, %mul3A_230 : vector<104x256xf32>
    %erf3A_232 = math.erf %mul3A_231 : vector<104x256xf32>
    %add3A_233 = arith.constant 1.000000e+00 : f32
    %add3A_234 = vector.broadcast %add3A_233 : f32 to vector<104x256xf32>
    %add3A_235 = arith.addf %add3A_234, %erf3A_232 : vector<104x256xf32>
    %mul3A_236 = arith.mulf %mul3A_228, %add3A_235 : vector<104x256xf32>
    %get3A_237 = arith.constant 3 : index
    %get3A_238 = arith.constant 0 : index
    %get3A_239 = arith.constant 0 : index
    %get3A_240 = vector.load %arg7[%get3A_237, %get3A_238, %get3A_239] : memref<8x256x256xf32, #tpu.memory_space<vmem>>, vector<1x256x256xf32>
    %get3A_241 = vector.shape_cast %get3A_240 : vector<1x256x256xf32> to vector<256x256xf32>
    %dot_general3A_242 = arith.constant dense<0.000000e+00> : vector<104x256xf32>
    %dot_general3A_243 = tpu.matmul %mul3A_236, %get3A_241, %dot_general3A_242 {dimension_numbers = #tpu.dot_dimension_numbers<[1], [1], [0], [0], [0, 0, 1, 0], [], []>, transpose_lhs_hint = false} : vector<104x256xf32>, vector<256x256xf32>, vector<104x256xf32> -> vector<104x256xf32>
    %get3A_244 = arith.constant 3 : index
    %get3A_245 = arith.constant 0 : index
    %get3A_246 = vector.load %arg8[%get3A_244, %get3A_245] : memref<8x256xf32, #tpu.memory_space<vmem>>, vector<1x256xf32>
    %add3A_247 = vector.broadcast %get3A_246 : vector<1x256xf32> to vector<104x256xf32>
    %add3A_248 = arith.addf %dot_general3A_243, %add3A_247 : vector<104x256xf32>
    %slice3A_249 = vector.extract_strided_slice %get3A_8 {offsets = [0, 3], sizes = [104, 1], strides = [1, 1]} : vector<104x8xf32> to vector<104x1xf32>
    %mul3A_250 = vector.broadcast %slice3A_249 : vector<104x1xf32> to vector<104x256xf32>
    %mul3A_251 = arith.mulf %add3A_248, %mul3A_250 : vector<104x256xf32>
    %add3A_252 = arith.addf %add3A_190, %mul3A_251 : vector<104x256xf32>
    %get3A_253 = arith.constant 4 : index
    %get3A_254 = arith.constant 0 : index
    %get3A_255 = arith.constant 0 : index
    %get3A_256 = vector.load %arg3[%get3A_253, %get3A_254, %get3A_255] : memref<8x256x384xf32, #tpu.memory_space<vmem>>, vector<1x256x384xf32>
    %get3A_257 = vector.shape_cast %get3A_256 : vector<1x256x384xf32> to vector<256x384xf32>
    %dot_general3A_258 = arith.constant dense<0.000000e+00> : vector<104x256xf32>
    %dot_general3A_259 = tpu.matmul %get3A_3, %get3A_257, %dot_general3A_258 {dimension_numbers = #tpu.dot_dimension_numbers<[1], [1], [0], [0], [0, 0, 1, 0], [], []>, transpose_lhs_hint = false} : vector<104x384xf32>, vector<256x384xf32>, vector<104x256xf32> -> vector<104x256xf32>
    %get3A_260 = arith.constant 4 : index
    %get3A_261 = arith.constant 0 : index
    %get3A_262 = vector.load %arg4[%get3A_260, %get3A_261] : memref<8x256xf32, #tpu.memory_space<vmem>>, vector<1x256xf32>
    %add3A_263 = vector.broadcast %get3A_262 : vector<1x256xf32> to vector<104x256xf32>
    %add3A_264 = arith.addf %dot_general3A_259, %add3A_263 : vector<104x256xf32>
    %mul3A_265 = arith.constant 5.000000e-01 : f32
    %mul3A_266 = vector.broadcast %mul3A_265 : f32 to vector<104x256xf32>
    %mul3A_267 = arith.mulf %mul3A_266, %add3A_264 : vector<104x256xf32>
    %mul3A_268 = arith.constant 0.707106769 : f32
    %mul3A_269 = vector.broadcast %mul3A_268 : f32 to vector<104x256xf32>
    %mul3A_270 = arith.mulf %add3A_264, %mul3A_269 : vector<104x256xf32>
    %erf3A_271 = math.erf %mul3A_270 : vector<104x256xf32>
    %add3A_272 = arith.constant 1.000000e+00 : f32
    %add3A_273 = vector.broadcast %add3A_272 : f32 to vector<104x256xf32>
    %add3A_274 = arith.addf %add3A_273, %erf3A_271 : vector<104x256xf32>
    %mul3A_275 = arith.mulf %mul3A_267, %add3A_274 : vector<104x256xf32>
    %get3A_276 = arith.constant 4 : index
    %get3A_277 = arith.constant 0 : index
    %get3A_278 = arith.constant 0 : index
    %get3A_279 = vector.load %arg5[%get3A_276, %get3A_277, %get3A_278] : memref<8x256x256xf32, #tpu.memory_space<vmem>>, vector<1x256x256xf32>
    %get3A_280 = vector.shape_cast %get3A_279 : vector<1x256x256xf32> to vector<256x256xf32>
    %dot_general3A_281 = arith.constant dense<0.000000e+00> : vector<104x256xf32>
    %dot_general3A_282 = tpu.matmul %mul3A_275, %get3A_280, %dot_general3A_281 {dimension_numbers = #tpu.dot_dimension_numbers<[1], [1], [0], [0], [0, 0, 1, 0], [], []>, transpose_lhs_hint = false} : vector<104x256xf32>, vector<256x256xf32>, vector<104x256xf32> -> vector<104x256xf32>
    %get3A_283 = arith.constant 4 : index
    %get3A_284 = arith.constant 0 : index
    %get3A_285 = vector.load %arg6[%get3A_283, %get3A_284] : memref<8x256xf32, #tpu.memory_space<vmem>>, vector<1x256xf32>
    %add3A_286 = vector.broadcast %get3A_285 : vector<1x256xf32> to vector<104x256xf32>
    %add3A_287 = arith.addf %dot_general3A_282, %add3A_286 : vector<104x256xf32>
    %mul3A_288 = arith.constant 5.000000e-01 : f32
    %mul3A_289 = vector.broadcast %mul3A_288 : f32 to vector<104x256xf32>
    %mul3A_290 = arith.mulf %mul3A_289, %add3A_287 : vector<104x256xf32>
    %mul3A_291 = arith.constant 0.707106769 : f32
    %mul3A_292 = vector.broadcast %mul3A_291 : f32 to vector<104x256xf32>
    %mul3A_293 = arith.mulf %add3A_287, %mul3A_292 : vector<104x256xf32>
    %erf3A_294 = math.erf %mul3A_293 : vector<104x256xf32>
    %add3A_295 = arith.constant 1.000000e+00 : f32
    %add3A_296 = vector.broadcast %add3A_295 : f32 to vector<104x256xf32>
    %add3A_297 = arith.addf %add3A_296, %erf3A_294 : vector<104x256xf32>
    %mul3A_298 = arith.mulf %mul3A_290, %add3A_297 : vector<104x256xf32>
    %get3A_299 = arith.constant 4 : index
    %get3A_300 = arith.constant 0 : index
    %get3A_301 = arith.constant 0 : index
    %get3A_302 = vector.load %arg7[%get3A_299, %get3A_300, %get3A_301] : memref<8x256x256xf32, #tpu.memory_space<vmem>>, vector<1x256x256xf32>
    %get3A_303 = vector.shape_cast %get3A_302 : vector<1x256x256xf32> to vector<256x256xf32>
    %dot_general3A_304 = arith.constant dense<0.000000e+00> : vector<104x256xf32>
    %dot_general3A_305 = tpu.matmul %mul3A_298, %get3A_303, %dot_general3A_304 {dimension_numbers = #tpu.dot_dimension_numbers<[1], [1], [0], [0], [0, 0, 1, 0], [], []>, transpose_lhs_hint = false} : vector<104x256xf32>, vector<256x256xf32>, vector<104x256xf32> -> vector<104x256xf32>
    %get3A_306 = arith.constant 4 : index
    %get3A_307 = arith.constant 0 : index
    %get3A_308 = vector.load %arg8[%get3A_306, %get3A_307] : memref<8x256xf32, #tpu.memory_space<vmem>>, vector<1x256xf32>
    %add3A_309 = vector.broadcast %get3A_308 : vector<1x256xf32> to vector<104x256xf32>
    %add3A_310 = arith.addf %dot_general3A_305, %add3A_309 : vector<104x256xf32>
    %slice3A_311 = vector.extract_strided_slice %get3A_8 {offsets = [0, 4], sizes = [104, 1], strides = [1, 1]} : vector<104x8xf32> to vector<104x1xf32>
    %mul3A_312 = vector.broadcast %slice3A_311 : vector<104x1xf32> to vector<104x256xf32>
    %mul3A_313 = arith.mulf %add3A_310, %mul3A_312 : vector<104x256xf32>
    %add3A_314 = arith.addf %add3A_252, %mul3A_313 : vector<104x256xf32>
    %get3A_315 = arith.constant 5 : index
    %get3A_316 = arith.constant 0 : index
    %get3A_317 = arith.constant 0 : index
    %get3A_318 = vector.load %arg3[%get3A_315, %get3A_316, %get3A_317] : memref<8x256x384xf32, #tpu.memory_space<vmem>>, vector<1x256x384xf32>
    %get3A_319 = vector.shape_cast %get3A_318 : vector<1x256x384xf32> to vector<256x384xf32>
    %dot_general3A_320 = arith.constant dense<0.000000e+00> : vector<104x256xf32>
    %dot_general3A_321 = tpu.matmul %get3A_3, %get3A_319, %dot_general3A_320 {dimension_numbers = #tpu.dot_dimension_numbers<[1], [1], [0], [0], [0, 0, 1, 0], [], []>, transpose_lhs_hint = false} : vector<104x384xf32>, vector<256x384xf32>, vector<104x256xf32> -> vector<104x256xf32>
    %get3A_322 = arith.constant 5 : index
    %get3A_323 = arith.constant 0 : index
    %get3A_324 = vector.load %arg4[%get3A_322, %get3A_323] : memref<8x256xf32, #tpu.memory_space<vmem>>, vector<1x256xf32>
    %add3A_325 = vector.broadcast %get3A_324 : vector<1x256xf32> to vector<104x256xf32>
    %add3A_326 = arith.addf %dot_general3A_321, %add3A_325 : vector<104x256xf32>
    %mul3A_327 = arith.constant 5.000000e-01 : f32
    %mul3A_328 = vector.broadcast %mul3A_327 : f32 to vector<104x256xf32>
    %mul3A_329 = arith.mulf %mul3A_328, %add3A_326 : vector<104x256xf32>
    %mul3A_330 = arith.constant 0.707106769 : f32
    %mul3A_331 = vector.broadcast %mul3A_330 : f32 to vector<104x256xf32>
    %mul3A_332 = arith.mulf %add3A_326, %mul3A_331 : vector<104x256xf32>
    %erf3A_333 = math.erf %mul3A_332 : vector<104x256xf32>
    %add3A_334 = arith.constant 1.000000e+00 : f32
    %add3A_335 = vector.broadcast %add3A_334 : f32 to vector<104x256xf32>
    %add3A_336 = arith.addf %add3A_335, %erf3A_333 : vector<104x256xf32>
    %mul3A_337 = arith.mulf %mul3A_329, %add3A_336 : vector<104x256xf32>
    %get3A_338 = arith.constant 5 : index
    %get3A_339 = arith.constant 0 : index
    %get3A_340 = arith.constant 0 : index
    %get3A_341 = vector.load %arg5[%get3A_338, %get3A_339, %get3A_340] : memref<8x256x256xf32, #tpu.memory_space<vmem>>, vector<1x256x256xf32>
    %get3A_342 = vector.shape_cast %get3A_341 : vector<1x256x256xf32> to vector<256x256xf32>
    %dot_general3A_343 = arith.constant dense<0.000000e+00> : vector<104x256xf32>
    %dot_general3A_344 = tpu.matmul %mul3A_337, %get3A_342, %dot_general3A_343 {dimension_numbers = #tpu.dot_dimension_numbers<[1], [1], [0], [0], [0, 0, 1, 0], [], []>, transpose_lhs_hint = false} : vector<104x256xf32>, vector<256x256xf32>, vector<104x256xf32> -> vector<104x256xf32>
    %get3A_345 = arith.constant 5 : index
    %get3A_346 = arith.constant 0 : index
    %get3A_347 = vector.load %arg6[%get3A_345, %get3A_346] : memref<8x256xf32, #tpu.memory_space<vmem>>, vector<1x256xf32>
    %add3A_348 = vector.broadcast %get3A_347 : vector<1x256xf32> to vector<104x256xf32>
    %add3A_349 = arith.addf %dot_general3A_344, %add3A_348 : vector<104x256xf32>
    %mul3A_350 = arith.constant 5.000000e-01 : f32
    %mul3A_351 = vector.broadcast %mul3A_350 : f32 to vector<104x256xf32>
    %mul3A_352 = arith.mulf %mul3A_351, %add3A_349 : vector<104x256xf32>
    %mul3A_353 = arith.constant 0.707106769 : f32
    %mul3A_354 = vector.broadcast %mul3A_353 : f32 to vector<104x256xf32>
    %mul3A_355 = arith.mulf %add3A_349, %mul3A_354 : vector<104x256xf32>
    %erf3A_356 = math.erf %mul3A_355 : vector<104x256xf32>
    %add3A_357 = arith.constant 1.000000e+00 : f32
    %add3A_358 = vector.broadcast %add3A_357 : f32 to vector<104x256xf32>
    %add3A_359 = arith.addf %add3A_358, %erf3A_356 : vector<104x256xf32>
    %mul3A_360 = arith.mulf %mul3A_352, %add3A_359 : vector<104x256xf32>
    %get3A_361 = arith.constant 5 : index
    %get3A_362 = arith.constant 0 : index
    %get3A_363 = arith.constant 0 : index
    %get3A_364 = vector.load %arg7[%get3A_361, %get3A_362, %get3A_363] : memref<8x256x256xf32, #tpu.memory_space<vmem>>, vector<1x256x256xf32>
    %get3A_365 = vector.shape_cast %get3A_364 : vector<1x256x256xf32> to vector<256x256xf32>
    %dot_general3A_366 = arith.constant dense<0.000000e+00> : vector<104x256xf32>
    %dot_general3A_367 = tpu.matmul %mul3A_360, %get3A_365, %dot_general3A_366 {dimension_numbers = #tpu.dot_dimension_numbers<[1], [1], [0], [0], [0, 0, 1, 0], [], []>, transpose_lhs_hint = false} : vector<104x256xf32>, vector<256x256xf32>, vector<104x256xf32> -> vector<104x256xf32>
    %get3A_368 = arith.constant 5 : index
    %get3A_369 = arith.constant 0 : index
    %get3A_370 = vector.load %arg8[%get3A_368, %get3A_369] : memref<8x256xf32, #tpu.memory_space<vmem>>, vector<1x256xf32>
    %add3A_371 = vector.broadcast %get3A_370 : vector<1x256xf32> to vector<104x256xf32>
    %add3A_372 = arith.addf %dot_general3A_367, %add3A_371 : vector<104x256xf32>
    %slice3A_373 = vector.extract_strided_slice %get3A_8 {offsets = [0, 5], sizes = [104, 1], strides = [1, 1]} : vector<104x8xf32> to vector<104x1xf32>
    %mul3A_374 = vector.broadcast %slice3A_373 : vector<104x1xf32> to vector<104x256xf32>
    %mul3A_375 = arith.mulf %add3A_372, %mul3A_374 : vector<104x256xf32>
    %add3A_376 = arith.addf %add3A_314, %mul3A_375 : vector<104x256xf32>
    %get3A_377 = arith.constant 6 : index
    %get3A_378 = arith.constant 0 : index
    %get3A_379 = arith.constant 0 : index
    %get3A_380 = vector.load %arg3[%get3A_377, %get3A_378, %get3A_379] : memref<8x256x384xf32, #tpu.memory_space<vmem>>, vector<1x256x384xf32>
    %get3A_381 = vector.shape_cast %get3A_380 : vector<1x256x384xf32> to vector<256x384xf32>
    %dot_general3A_382 = arith.constant dense<0.000000e+00> : vector<104x256xf32>
    %dot_general3A_383 = tpu.matmul %get3A_3, %get3A_381, %dot_general3A_382 {dimension_numbers = #tpu.dot_dimension_numbers<[1], [1], [0], [0], [0, 0, 1, 0], [], []>, transpose_lhs_hint = false} : vector<104x384xf32>, vector<256x384xf32>, vector<104x256xf32> -> vector<104x256xf32>
    %get3A_384 = arith.constant 6 : index
    %get3A_385 = arith.constant 0 : index
    %get3A_386 = vector.load %arg4[%get3A_384, %get3A_385] : memref<8x256xf32, #tpu.memory_space<vmem>>, vector<1x256xf32>
    %add3A_387 = vector.broadcast %get3A_386 : vector<1x256xf32> to vector<104x256xf32>
    %add3A_388 = arith.addf %dot_general3A_383, %add3A_387 : vector<104x256xf32>
    %mul3A_389 = arith.constant 5.000000e-01 : f32
    %mul3A_390 = vector.broadcast %mul3A_389 : f32 to vector<104x256xf32>
    %mul3A_391 = arith.mulf %mul3A_390, %add3A_388 : vector<104x256xf32>
    %mul3A_392 = arith.constant 0.707106769 : f32
    %mul3A_393 = vector.broadcast %mul3A_392 : f32 to vector<104x256xf32>
    %mul3A_394 = arith.mulf %add3A_388, %mul3A_393 : vector<104x256xf32>
    %erf3A_395 = math.erf %mul3A_394 : vector<104x256xf32>
    %add3A_396 = arith.constant 1.000000e+00 : f32
    %add3A_397 = vector.broadcast %add3A_396 : f32 to vector<104x256xf32>
    %add3A_398 = arith.addf %add3A_397, %erf3A_395 : vector<104x256xf32>
    %mul3A_399 = arith.mulf %mul3A_391, %add3A_398 : vector<104x256xf32>
    %get3A_400 = arith.constant 6 : index
    %get3A_401 = arith.constant 0 : index
    %get3A_402 = arith.constant 0 : index
    %get3A_403 = vector.load %arg5[%get3A_400, %get3A_401, %get3A_402] : memref<8x256x256xf32, #tpu.memory_space<vmem>>, vector<1x256x256xf32>
    %get3A_404 = vector.shape_cast %get3A_403 : vector<1x256x256xf32> to vector<256x256xf32>
    %dot_general3A_405 = arith.constant dense<0.000000e+00> : vector<104x256xf32>
    %dot_general3A_406 = tpu.matmul %mul3A_399, %get3A_404, %dot_general3A_405 {dimension_numbers = #tpu.dot_dimension_numbers<[1], [1], [0], [0], [0, 0, 1, 0], [], []>, transpose_lhs_hint = false} : vector<104x256xf32>, vector<256x256xf32>, vector<104x256xf32> -> vector<104x256xf32>
    %get3A_407 = arith.constant 6 : index
    %get3A_408 = arith.constant 0 : index
    %get3A_409 = vector.load %arg6[%get3A_407, %get3A_408] : memref<8x256xf32, #tpu.memory_space<vmem>>, vector<1x256xf32>
    %add3A_410 = vector.broadcast %get3A_409 : vector<1x256xf32> to vector<104x256xf32>
    %add3A_411 = arith.addf %dot_general3A_406, %add3A_410 : vector<104x256xf32>
    %mul3A_412 = arith.constant 5.000000e-01 : f32
    %mul3A_413 = vector.broadcast %mul3A_412 : f32 to vector<104x256xf32>
    %mul3A_414 = arith.mulf %mul3A_413, %add3A_411 : vector<104x256xf32>
    %mul3A_415 = arith.constant 0.707106769 : f32
    %mul3A_416 = vector.broadcast %mul3A_415 : f32 to vector<104x256xf32>
    %mul3A_417 = arith.mulf %add3A_411, %mul3A_416 : vector<104x256xf32>
    %erf3A_418 = math.erf %mul3A_417 : vector<104x256xf32>
    %add3A_419 = arith.constant 1.000000e+00 : f32
    %add3A_420 = vector.broadcast %add3A_419 : f32 to vector<104x256xf32>
    %add3A_421 = arith.addf %add3A_420, %erf3A_418 : vector<104x256xf32>
    %mul3A_422 = arith.mulf %mul3A_414, %add3A_421 : vector<104x256xf32>
    %get3A_423 = arith.constant 6 : index
    %get3A_424 = arith.constant 0 : index
    %get3A_425 = arith.constant 0 : index
    %get3A_426 = vector.load %arg7[%get3A_423, %get3A_424, %get3A_425] : memref<8x256x256xf32, #tpu.memory_space<vmem>>, vector<1x256x256xf32>
    %get3A_427 = vector.shape_cast %get3A_426 : vector<1x256x256xf32> to vector<256x256xf32>
    %dot_general3A_428 = arith.constant dense<0.000000e+00> : vector<104x256xf32>
    %dot_general3A_429 = tpu.matmul %mul3A_422, %get3A_427, %dot_general3A_428 {dimension_numbers = #tpu.dot_dimension_numbers<[1], [1], [0], [0], [0, 0, 1, 0], [], []>, transpose_lhs_hint = false} : vector<104x256xf32>, vector<256x256xf32>, vector<104x256xf32> -> vector<104x256xf32>
    %get3A_430 = arith.constant 6 : index
    %get3A_431 = arith.constant 0 : index
    %get3A_432 = vector.load %arg8[%get3A_430, %get3A_431] : memref<8x256xf32, #tpu.memory_space<vmem>>, vector<1x256xf32>
    %add3A_433 = vector.broadcast %get3A_432 : vector<1x256xf32> to vector<104x256xf32>
    %add3A_434 = arith.addf %dot_general3A_429, %add3A_433 : vector<104x256xf32>
    %slice3A_435 = vector.extract_strided_slice %get3A_8 {offsets = [0, 6], sizes = [104, 1], strides = [1, 1]} : vector<104x8xf32> to vector<104x1xf32>
    %mul3A_436 = vector.broadcast %slice3A_435 : vector<104x1xf32> to vector<104x256xf32>
    %mul3A_437 = arith.mulf %add3A_434, %mul3A_436 : vector<104x256xf32>
    %add3A_438 = arith.addf %add3A_376, %mul3A_437 : vector<104x256xf32>
    %get3A_439 = arith.constant 7 : index
    %get3A_440 = arith.constant 0 : index
    %get3A_441 = arith.constant 0 : index
    %get3A_442 = vector.load %arg3[%get3A_439, %get3A_440, %get3A_441] : memref<8x256x384xf32, #tpu.memory_space<vmem>>, vector<1x256x384xf32>
    %get3A_443 = vector.shape_cast %get3A_442 : vector<1x256x384xf32> to vector<256x384xf32>
    %dot_general3A_444 = arith.constant dense<0.000000e+00> : vector<104x256xf32>
    %dot_general3A_445 = tpu.matmul %get3A_3, %get3A_443, %dot_general3A_444 {dimension_numbers = #tpu.dot_dimension_numbers<[1], [1], [0], [0], [0, 0, 1, 0], [], []>, transpose_lhs_hint = false} : vector<104x384xf32>, vector<256x384xf32>, vector<104x256xf32> -> vector<104x256xf32>
    %get3A_446 = arith.constant 7 : index
    %get3A_447 = arith.constant 0 : index
    %get3A_448 = vector.load %arg4[%get3A_446, %get3A_447] : memref<8x256xf32, #tpu.memory_space<vmem>>, vector<1x256xf32>
    %add3A_449 = vector.broadcast %get3A_448 : vector<1x256xf32> to vector<104x256xf32>
    %add3A_450 = arith.addf %dot_general3A_445, %add3A_449 : vector<104x256xf32>
    %mul3A_451 = arith.constant 5.000000e-01 : f32
    %mul3A_452 = vector.broadcast %mul3A_451 : f32 to vector<104x256xf32>
    %mul3A_453 = arith.mulf %mul3A_452, %add3A_450 : vector<104x256xf32>
    %mul3A_454 = arith.constant 0.707106769 : f32
    %mul3A_455 = vector.broadcast %mul3A_454 : f32 to vector<104x256xf32>
    %mul3A_456 = arith.mulf %add3A_450, %mul3A_455 : vector<104x256xf32>
    %erf3A_457 = math.erf %mul3A_456 : vector<104x256xf32>
    %add3A_458 = arith.constant 1.000000e+00 : f32
    %add3A_459 = vector.broadcast %add3A_458 : f32 to vector<104x256xf32>
    %add3A_460 = arith.addf %add3A_459, %erf3A_457 : vector<104x256xf32>
    %mul3A_461 = arith.mulf %mul3A_453, %add3A_460 : vector<104x256xf32>
    %get3A_462 = arith.constant 7 : index
    %get3A_463 = arith.constant 0 : index
    %get3A_464 = arith.constant 0 : index
    %get3A_465 = vector.load %arg5[%get3A_462, %get3A_463, %get3A_464] : memref<8x256x256xf32, #tpu.memory_space<vmem>>, vector<1x256x256xf32>
    %get3A_466 = vector.shape_cast %get3A_465 : vector<1x256x256xf32> to vector<256x256xf32>
    %dot_general3A_467 = arith.constant dense<0.000000e+00> : vector<104x256xf32>
    %dot_general3A_468 = tpu.matmul %mul3A_461, %get3A_466, %dot_general3A_467 {dimension_numbers = #tpu.dot_dimension_numbers<[1], [1], [0], [0], [0, 0, 1, 0], [], []>, transpose_lhs_hint = false} : vector<104x256xf32>, vector<256x256xf32>, vector<104x256xf32> -> vector<104x256xf32>
    %get3A_469 = arith.constant 7 : index
    %get3A_470 = arith.constant 0 : index
    %get3A_471 = vector.load %arg6[%get3A_469, %get3A_470] : memref<8x256xf32, #tpu.memory_space<vmem>>, vector<1x256xf32>
    %add3A_472 = vector.broadcast %get3A_471 : vector<1x256xf32> to vector<104x256xf32>
    %add3A_473 = arith.addf %dot_general3A_468, %add3A_472 : vector<104x256xf32>
    %mul3A_474 = arith.constant 5.000000e-01 : f32
    %mul3A_475 = vector.broadcast %mul3A_474 : f32 to vector<104x256xf32>
    %mul3A_476 = arith.mulf %mul3A_475, %add3A_473 : vector<104x256xf32>
    %mul3A_477 = arith.constant 0.707106769 : f32
    %mul3A_478 = vector.broadcast %mul3A_477 : f32 to vector<104x256xf32>
    %mul3A_479 = arith.mulf %add3A_473, %mul3A_478 : vector<104x256xf32>
    %erf3A_480 = math.erf %mul3A_479 : vector<104x256xf32>
    %add3A_481 = arith.constant 1.000000e+00 : f32
    %add3A_482 = vector.broadcast %add3A_481 : f32 to vector<104x256xf32>
    %add3A_483 = arith.addf %add3A_482, %erf3A_480 : vector<104x256xf32>
    %mul3A_484 = arith.mulf %mul3A_476, %add3A_483 : vector<104x256xf32>
    %get3A_485 = arith.constant 7 : index
    %get3A_486 = arith.constant 0 : index
    %get3A_487 = arith.constant 0 : index
    %get3A_488 = vector.load %arg7[%get3A_485, %get3A_486, %get3A_487] : memref<8x256x256xf32, #tpu.memory_space<vmem>>, vector<1x256x256xf32>
    %get3A_489 = vector.shape_cast %get3A_488 : vector<1x256x256xf32> to vector<256x256xf32>
    %dot_general3A_490 = arith.constant dense<0.000000e+00> : vector<104x256xf32>
    %dot_general3A_491 = tpu.matmul %mul3A_484, %get3A_489, %dot_general3A_490 {dimension_numbers = #tpu.dot_dimension_numbers<[1], [1], [0], [0], [0, 0, 1, 0], [], []>, transpose_lhs_hint = false} : vector<104x256xf32>, vector<256x256xf32>, vector<104x256xf32> -> vector<104x256xf32>
    %get3A_492 = arith.constant 7 : index
    %get3A_493 = arith.constant 0 : index
    %get3A_494 = vector.load %arg8[%get3A_492, %get3A_493] : memref<8x256xf32, #tpu.memory_space<vmem>>, vector<1x256xf32>
    %add3A_495 = vector.broadcast %get3A_494 : vector<1x256xf32> to vector<104x256xf32>
    %add3A_496 = arith.addf %dot_general3A_491, %add3A_495 : vector<104x256xf32>
    %slice3A_497 = vector.extract_strided_slice %get3A_8 {offsets = [0, 7], sizes = [104, 1], strides = [1, 1]} : vector<104x8xf32> to vector<104x1xf32>
    %mul3A_498 = vector.broadcast %slice3A_497 : vector<104x1xf32> to vector<104x256xf32>
    %mul3A_499 = arith.mulf %add3A_496, %mul3A_498 : vector<104x256xf32>
    %add3A_500 = arith.addf %add3A_438, %mul3A_499 : vector<104x256xf32>
    %reduce_sum3A = arith.constant dense<0.000000e+00> : vector<256xf32>
    %reduce_sum3A_501 = vector.multi_reduction <add>, %add3A_500, %reduce_sum3A [0] : vector<104x256xf32> to vector<256xf32>
    %broadcast_in_dim3A_502 = vector.shape_cast %reduce_sum3A_501 : vector<256xf32> to vector<1x256xf32>
    %swap3A = arith.constant 0 : index
    %swap3A_503 = arith.constant 0 : index
    %swap3A_504 = arith.constant 0 : index
    %swap3A_505 = vector.load %arg9[%swap3A, %swap3A_503, %swap3A_504] : memref<1x1x256xf32, #tpu.memory_space<vmem>>, vector<1x1x256xf32>
    %swap3A_506 = vector.shape_cast %swap3A_505 : vector<1x1x256xf32> to vector<1x256xf32>
    %swap3A_507 = vector.shape_cast %broadcast_in_dim3A_502 : vector<1x256xf32> to vector<1x1x256xf32>
    tpu.vector_store %arg9[%swap3A, %swap3A_503, %swap3A_504], %swap3A_507 {strides = array<i32>} : memref<1x1x256xf32, #tpu.memory_space<vmem>>, vector<1x1x256xf32>,
    return
  }
  func.func @transform_0(%arg0: i32) -> (i32, i32, i32) {
    %c0_i32 = arith.constant 0 : i32
    %c0_i32_0 = arith.constant 0 : i32
    %c0_i32_1 = arith.constant 0 : i32
    return %arg0, %c0_i32, %c0_i32_0 : i32, i32, i32
  }
  func.func @transform_1(%arg0: i32) -> (i32, i32, i32) {
    %c0_i32 = arith.constant 0 : i32
    %c0_i32_0 = arith.constant 0 : i32
    %c0_i32_1 = arith.constant 0 : i32
    return %arg0, %c0_i32, %c0_i32_0 : i32, i32, i32
  }
  func.func @transform_2(%arg0: i32) -> (i32, i32, i32) {
    %c0_i32 = arith.constant 0 : i32
    %c0_i32_0 = arith.constant 0 : i32
    %c0_i32_1 = arith.constant 0 : i32
    %c0_i32_2 = arith.constant 0 : i32
    return %c0_i32, %c0_i32_0, %c0_i32_1 : i32, i32, i32
  }
  func.func @transform_3(%arg0: i32) -> (i32, i32) {
    %c0_i32 = arith.constant 0 : i32
    %c0_i32_0 = arith.constant 0 : i32
    %c0_i32_1 = arith.constant 0 : i32
    return %c0_i32, %c0_i32_0 : i32, i32
  }
  func.func @transform_4(%arg0: i32) -> (i32, i32, i32) {
    %c0_i32 = arith.constant 0 : i32
    %c0_i32_0 = arith.constant 0 : i32
    %c0_i32_1 = arith.constant 0 : i32
    %c0_i32_2 = arith.constant 0 : i32
    return %c0_i32, %c0_i32_0, %c0_i32_1 : i32, i32, i32
  }
  func.func @transform_5(%arg0: i32) -> (i32, i32) {
    %c0_i32 = arith.constant 0 : i32
    %c0_i32_0 = arith.constant 0 : i32
    %c0_i32_1 = arith.constant 0 : i32
    return %c0_i32, %c0_i32_0 : i32, i32
  }
  func.func @transform_6(%arg0: i32) -> (i32, i32, i32) {
    %c0_i32 = arith.constant 0 : i32
    %c0_i32_0 = arith.constant 0 : i32
    %c0_i32_1 = arith.constant 0 : i32
    %c0_i32_2 = arith.constant 0 : i32
    return %c0_i32, %c0_i32_0, %c0_i32_1 : i32, i32, i32
  }
  func.func @transform_7(%arg0: i32) -> (i32, i32) {
    %c0_i32 = arith.constant 0 : i32
    %c0_i32_0 = arith.constant 0 : i32
    %c0_i32_1 = arith.constant 0 : i32
    return %c0_i32, %c0_i32_0 : i32, i32
  }
  func.func @transform_8(%arg0: i32) -> (i32, i32, i32) {
    %c0_i32 = arith.constant 0 : i32
    %c0_i32_0 = arith.constant 0 : i32
    %c0_i32_1 = arith.constant 0 : i32
    return %arg0, %c0_i32, %c0_i32_0 : i32, i32, i32
  }
}

</mosaic_0001>

<sc_bundles>
// kernel: sparse-core-data-format-call.cloned.1.call-start
scs
called_computation_lowered:
.L_overlay_start_0:
0x0: {  	s1 =	sld [smem:$0x3FD9]  }
0x1: {  	s2 =	sld [smem:$0x3FFE];
	_ =	sdelay $0x1  }
0x2: {  	s3 =	srdreg.scid  }
0x3: {  	s0 =	sand.u32 $0x1, s3  }
0x4: {  	s17 =	sshll.u32 s0, $0xA;
	s1 =	sadd.s32 s2, s1  }
0x5: {  	s1 =	sadd.s32 s1, s17  }
0x6: {  	[smem:$0x3FAC] =	sst s1  }
0x7: {  	_ = 	snop  }
0x8: {  	(tm) =	ssettm $0x1  }
0x9: {  	s18 =	sld [smem:$0x3FFB];
	_ =	sdelay $0x3  }
0xa: {  	_ =	strace s18  }
0xb: {  	s1 =	sld [smem:$0x3FFC];
	_ =	sdelay $0x3  }
0xc: {  	_ =	strace s1  }
0xd: {  	s1 =	sld [smem:$0x3FFD];
	_ =	sdelay $0x3  }
0xe: {  	_ =	strace s1  }
0xf: {  	_ =	strace $0x8FFFFFFF  }
0x10: {  	s19 =	sld [smem:$0x3FDB];
	_ =	sdelay $0x1  }
0x11: {  	s20 =	simm.s32 $_scs_section_size  }
0x12: {  	s4 =	simm.s32 $_size__tile_overlayer_lowered;
	s5 =	simm.s32 $_tile_overlayer_lowered  }
0x13: {  	s23 =	simm.s32 $0x1BFF;
	s22 =	sshll.u32 s5, $0x1;
	s1 =	sadd.s32 s20, s19  }
0x14: {  	s6 =	simm.s32 $0x0;
	s21 =	sshll.u32 s4, $0x1;
	s4 =	sadd.s32 s22, s1  }
0x15: {  	[timem:s6], [sflag:s23] =	dma.local [hbm:s4], s21  }
0x16: {  	_ =	swait.ge [sflag:s23], s21  }
0x17: {  	s2 =	ssub.s32 $0x0, s21;
	[sflag:s23] =	ssyncset.done $0x0  }
0x18: {  	[sflag:s23] =	ssyncadd.s32 s2;
	_ =	sdelay $0x1  }
0x19: {  	s24 =	simm.s32 $0x1B8B  }
0x1a: {  	_ =	swait.ge [sflag:s24], $0x1  }
0x1b: {  	[sflag:s24] =	ssyncset.done $0x0  }
0x1c: {  	s26 =	simm.s32 $0x1B8E;
	s25 =	sld [smem:$0x3FFE];
	[sflag:s24] =	ssyncadd.s32 $0xFFFFFFFF  }
0x1d: {  	s27 =	simm.s32 $execute0_lowered;
	[smem:$0x3FD2] =	sst s26  }
0x1e: {  	s4 =	sshll.u32 s27, $0x1;
	_ =	strace $0x80000046;
	[dreg:$0x1] =	wrdreg $0xFFFFFFFF  }
0x1f: {  	s28 =	simm.s32 $_size_execute0_lowered;
	s1 =	sadd.s32 s1, s4;
	[dreg:$0x0] =	wrdreg $0x0  }
0x20: {  	s4 =	sshll.u32 s28, $0x1;
	[dreg:$0x2] =	wrdreg s1  }
0x21: {  	[dreg:$0x3] =	wrdreg s4  }
0x22: {  	[dreg:$0x4] =	wrdreg $0xC0  }
0x23: {  	_ =	task [dreg:s6], $0x5FFFF  }
0x24: {  	[dreg:$0x1] =	wrdreg $0xFFFFFFFF  }
0x25: {  	[dreg:$0x0] =	wrdreg $0x60  }
0x26: {  	[dreg:$0x2] =	wrdreg s25  }
0x27: {  	[dreg:$0x3] =	wrdreg $0x9  }
0x28: {  	_ =	task.clear_ibuf [dreg:s6], $0x4FFFF;
	_ =	strace $0x90000046  }
0x29: {  	s29 =	simm.s32 $0x9;
	_ =	strace $0x80000048  }
0x2a: {  	_ =	swait.ge [sflag:s29], $0x1  }
0x2b: {  	[sflag:s29] =	ssyncadd.s32 $0xFFFFFFFF  }
0x2c: {  	_ =	strace $0x90000048  }
0x2d: {  	_ =	sfence  }
0x2e: {  	s30 =	sld [smem:$0x0];
	_ =	sdelay $0x2  }
0x2f: {  	s31 =	sshll.u32 s3, $0xD;
	s3 =	sshrl.u32 s3, $0x2  }
0x30: {  	s2 =	sand.u32 $0x4000, s31;
	s1 =	sadd.s32 s3, s30  }
0x31: {  	s0 =	sor.u32 s2, s0;
	s1 =	sshll.u32 s1, $0x11  }
0x32: {  	s0 =	sor.u32 s1, s0  }
0x33: {  	s0 =	sadd.s32 $0x8F2B, s0  }
0x34: {  	[sflag:s0] =	ssyncadd.remote.s32 $0x1  }
0x35: {  	_ =	sfence.sel $0xFFFF  }
0x36: {  	[dreg:$0x0] =	wrdreg $0xFFFFFFFF;
	(pc) =	sbr.abs _section_cstart, $3  }
0x37: {  	[dreg:$0x1] =	wrdreg $0xFFFFFFFF  }
0x38: {  	_ =	task.clear_ibuf [dreg:s6], $0x2FFFF;
	_ =	strace $0x9FFFFFFF  }
0x39: {  	(tm) =	ssettm $0x7FFFFFFF  }
tec
execute0_lowered:
.L_overlay_start_1:
0x0: {  	(tag) =	ssettag $0x1  }
0x1: {  	s11 =	stileid.u32  }
0x2: {  	s0 =	srdreg.scid;
	s4 =	rddreg [dreg:$0x0]  }
0x3: {  	_ =	strace $0x80000047;
	s21 =	simm.s32 $0x2;
	s30 =	simm.s32 $0x0  }
0x4: {  	s31 =	simm.s32 $0x0;
	s27 =	stileid.u32;
	s28 =	simm.s32 $0x0  }
0x5: {  	s29 =	simm.s32 $0x0;
	s1 =	ssub.s32 $0xE, s11;
	s2 =	sand.u32 $0x1, s0  }
0x6: {  	s20 =	sadd.s32 $0x7E00, s4;
	s5 =	sadd.s32 $0x253E00, s4;
	s22 =	sadd.s32 $0x8C00, s4  }
0x7: {  	s23 =	sadd.s32 $0x9A00, s4;
	s24 =	sadd.s32 $0xA800, s4;
	s25 =	sadd.s32 $0xB600, s4  }
0x8: {  	s26 =	sadd.s32 $0xC400, s4;
	s12 =	sadd.s32 $0xD200, s4;
	s13 =	sadd.s32 $0xE000, s4  }
0x9: {  	s14 =	sadd.s32 $0xEE00, s4;
	s15 =	sadd.s32 $0xFC00, s4;
	[dreg:$0x2] =	wrdreg s20  }
0xa: {  	s16 =	sadd.s32 $0x10A00, s4;
	s17 =	sadd.s32 $0x11800, s4;
	[dreg:$0x3] =	wrdreg s5  }
0xb: {  	s18 =	sadd.s32 $0x12600, s4;
	p0 =	sgt.s32 s1, $0x0;
	[dreg:$0x4] =	wrdreg s22  }
0xc: {  	s0 =	ssub.s32 $0xE, s2;
	[dreg:$0x5] =	wrdreg s23;
	s1 =	simm.s32 @!p0 $0x0  }
0xd: {  	[dreg:$0x6] =	wrdreg s24;
	s3 =	sshrl.u32 s0, $0x1;
	s1 =	sadd.s32 $0xF, s1  }
0xe: {  	[dreg:$0x7] =	wrdreg s25;
	s0 =	ssub.s32 s0, s3;
	s1 =	sshrl.u32 s1, $0x4  }
0xf: {  	s19 =	sadd.s32 $0x13400, s4;
	[dreg:$0x8] =	wrdreg s26;
	s0 =	smul.u32 s0, s1  }
.Ltmp0:
0x10: {  	s20 =	sadd.s32 $0x14200, s4;
	s23 =	simm.s32 $0x40;
	(pc) =	sbr.rel .LBB1_1-.Ltmp0, $4  }
0x11: {  	s24 =	simm.s32 $0x80;
	s25 =	simm.s32 $0x0;
	s3 =	simm.s32 $0x1  }
0x12: {  	s26 =	smov.u32 s2;
	[sflag:s3] =	ssyncpa.u1 $0x0;
	s6 =	smul.u32 $0x3, s0  }
0x13: {  	p0 =	por $0x0, $0x0;
	[sflag:s21] =	ssyncpa.u1 $0x0;
	s21 =	sadd.s32 $0x15000, s4  }
0x14: {  	s1 =	simm.s32 $0x0;
	s0 =	simm.s32 $0x0;
	s22 =	sadd.s32 $0x1, s6  }
.LBB1_9:
0x15: {  	s4 =	sadd.s32 $0x2, s26  }
0x16: {  	s0 =	sadd.s32 $0x10, s25;
	s5 =	smov.u32 s25;
	p2 =	sgt.s32 s4, $0xD  }
0x17: {  	s5 =	smov.u32 @p2 s0  }
0x18: {  	s7 =	smov.u32 s27;
	s0 =	sadd.s32 $0x10, s27;
	p3 =	sgt.s32 s5, $0xF  }
0x19: {  	s7 =	smov.u32 @p3 s0  }
0x1a: {  	s0 =	simm.s32 $0x1;
	p4 =	sgt.s32 s7, $0xD  }
0x1b: {  	s0 =	simm.s32 @!p4 $0x0  }
0x1c: {  	p1 =	slt.u32 s29, $0x2;
	s9 =	sadd.s32 s0, s28  }
0x1d: {  	s30 =	smov.u32 s26;
	s4 =	smov.u32 @p2 s2;
	p2 =	sgt.s32 s9, $0x2  }
0x1e: {  	s8 =	simm.s32 @!p1 $0x2;
	s9 =	simm.s32 @p2 $0x0;
	p2 =	sne.s32 s29, s22  }
.Ltmp1:
0x1f: {  	s31 =	smov.u32 s25;
	_ =	swait.ge @!p1 [sflag:s8], $0x4000;
	(pc) =	sbr.rel @!p2 .LBB1_10-.Ltmp1, $4  }
0x20: {  	s1 =	smov.u32 s27;
	p0 =	por !p0, !p0;
	[sflag:s8] =	ssyncset.done @!p1 $0x0  }
0x21: {  	s26 =	smov.u32 s4;
	s5 =	simm.s32 @p3 $0x0;
	[sflag:s8] =	ssyncadd.s32 @!p1 $0xFFFFC000  }
0x22: {  	s25 =	smov.u32 s5;
	s7 =	smov.u32 @p4 s11;
	s0 =	smov.u32 s28  }
0x23: {  	s27 =	smov.u32 s7;
	s29 =	sadd.s32 $0x1, s29;
	s28 =	smov.u32 s9  }
.LBB1_1:
0x24: {  	p1 =	sge.u32 s29, s6  }
.Ltmp2:
0x25: {  	_ = 	snop;
	(pc) =	sbr.rel @p1 .LBB1_3-.Ltmp2, $1  }
0x26: {  	_ =	sdelay $0x3  }
0x27: {  	s5 =	smul.u32 $0xC4000, s28  }
0x28: {  	s7 =	smul.u32 $0xE000, s27  }
0x29: {  	s4 =	smul.u32 $0xE00, s25  }
0x2a: {  	s9 =	rddreg [dreg:$0x2]  }
0x2b: {  	s8 =	sxor.u32 $0xFFFFFFFF, s29;
	s5 =	sadd.s32 s5, s7;
	s9 =	sadd.s32 s9, s4  }
0x2c: {  	s8 =	sshll.u32 s8, $0xE;
	s7 =	sshll.u32 s26, $0x8;
	s9 =	sadd.s32 s5, s9  }
0x2d: {  	s10 =	rddreg [dreg:$0x4];
	s8 =	sand.u32 $0x4000, s8;
	s9 =	sadd.s32 s7, s9  }
0x2e: {  	[tilespmem:s8], [sflag:$0x1] =	stream.strided.gather [hbm4b:s9+s23], $0x400, s24, s23, $0x38;
	[tilespmem:$0x10000] =	vst v63  }
0x2f: {  	s9 =	sadd.s32 s4, s10  }
0x30: {  	s9 =	sadd.s32 s5, s9  }
0x31: {  	s10 =	sor.u32 $0x400, s8;
	s9 =	sadd.s32 s7, s9  }
0x32: {  	[tilespmem:s10], [sflag:$0x1] =	stream.strided.gather [hbm4b:s9+s23], $0x400, s24, s23, $0x38;
	[tilespmem:$0x10000] =	vst v63  }
0x33: {  	s10 =	rddreg [dreg:$0x5]  }
0x34: {  	s9 =	sadd.s32 s4, s10  }
0x35: {  	s9 =	sadd.s32 s5, s9  }
0x36: {  	s10 =	sor.u32 $0x800, s8;
	s9 =	sadd.s32 s7, s9  }
0x37: {  	[tilespmem:s10], [sflag:$0x1] =	stream.strided.gather [hbm4b:s9+s23], $0x400, s24, s23, $0x38;
	[tilespmem:$0x10000] =	vst v63  }
0x38: {  	s10 =	rddreg [dreg:$0x6]  }
0x39: {  	s9 =	sadd.s32 s4, s10  }
0x3a: {  	s9 =	sadd.s32 s5, s9  }
0x3b: {  	s10 =	sor.u32 $0xC00, s8;
	s9 =	sadd.s32 s7, s9  }
0x3c: {  	[tilespmem:s10], [sflag:$0x1] =	stream.strided.gather [hbm4b:s9+s23], $0x400, s24, s23, $0x38;
	[tilespmem:$0x10000] =	vst v63  }
0x3d: {  	s10 =	rddreg [dreg:$0x7]  }
0x3e: {  	s9 =	sadd.s32 s4, s10  }
0x3f: {  	s9 =	sadd.s32 s5, s9  }
0x40: {  	s10 =	sor.u32 $0x1000, s8;
	s9 =	sadd.s32 s7, s9  }
0x41: {  	[tilespmem:s10], [sflag:$0x1] =	stream.strided.gather [hbm4b:s9+s23], $0x400, s24, s23, $0x38;
	[tilespmem:$0x10000] =	vst v63  }
0x42: {  	s10 =	rddreg [dreg:$0x8]  }
0x43: {  	s9 =	sadd.s32 s4, s10  }
0x44: {  	s9 =	sadd.s32 s5, s9  }
0x45: {  	s10 =	sor.u32 $0x1400, s8;
	s9 =	sadd.s32 s7, s9  }
0x46: {  	[tilespmem:s10], [sflag:$0x1] =	stream.strided.gather [hbm4b:s9+s23], $0x400, s24, s23, $0x38;
	[tilespmem:$0x10000] =	vst v63  }
0x47: {  	s10 =	sadd.s32 s4, s12  }
0x48: {  	s9 =	sadd.s32 s5, s10  }
0x49: {  	s10 =	sor.u32 $0x1800, s8;
	s9 =	sadd.s32 s7, s9  }
0x4a: {  	[tilespmem:s10], [sflag:$0x1] =	stream.strided.gather [hbm4b:s9+s23], $0x400, s24, s23, $0x38;
	[tilespmem:$0x10000] =	vst v63  }
0x4b: {  	s10 =	sadd.s32 s4, s13  }
0x4c: {  	s9 =	sadd.s32 s5, s10  }
0x4d: {  	s10 =	sor.u32 $0x1C00, s8;
	s9 =	sadd.s32 s7, s9  }
0x4e: {  	[tilespmem:s10], [sflag:$0x1] =	stream.strided.gather [hbm4b:s9+s23], $0x400, s24, s23, $0x38;
	[tilespmem:$0x10000] =	vst v63  }
0x4f: {  	s10 =	sadd.s32 s4, s14  }
0x50: {  	s9 =	sadd.s32 s5, s10  }
0x51: {  	s10 =	sor.u32 $0x2000, s8;
	s9 =	sadd.s32 s7, s9  }
0x52: {  	[tilespmem:s10], [sflag:$0x1] =	stream.strided.gather [hbm4b:s9+s23], $0x400, s24, s23, $0x38;
	[tilespmem:$0x10000] =	vst v63  }
0x53: {  	s10 =	sadd.s32 s4, s15  }
0x54: {  	s9 =	sadd.s32 s5, s10  }
0x55: {  	s10 =	sor.u32 $0x2400, s8;
	s9 =	sadd.s32 s7, s9  }
0x56: {  	[tilespmem:s10], [sflag:$0x1] =	stream.strided.gather [hbm4b:s9+s23], $0x400, s24, s23, $0x38;
	[tilespmem:$0x10000] =	vst v63  }
0x57: {  	s10 =	sadd.s32 s4, s16  }
0x58: {  	s9 =	sadd.s32 s5, s10  }
0x59: {  	s10 =	sor.u32 $0x2800, s8;
	s9 =	sadd.s32 s7, s9  }
0x5a: {  	[tilespmem:s10], [sflag:$0x1] =	stream.strided.gather [hbm4b:s9+s23], $0x400, s24, s23, $0x38;
	[tilespmem:$0x10000] =	vst v63  }
0x5b: {  	s10 =	sadd.s32 s4, s17  }
0x5c: {  	s9 =	sadd.s32 s5, s10  }
0x5d: {  	s10 =	sor.u32 $0x2C00, s8;
	s9 =	sadd.s32 s7, s9  }
0x5e: {  	[tilespmem:s10], [sflag:$0x1] =	stream.strided.gather [hbm4b:s9+s23], $0x400, s24, s23, $0x38;
	[tilespmem:$0x10000] =	vst v63  }
0x5f: {  	s10 =	sadd.s32 s4, s18  }
0x60: {  	s9 =	sadd.s32 s5, s10  }
0x61: {  	s10 =	sor.u32 $0x3000, s8;
	s9 =	sadd.s32 s7, s9  }
0x62: {  	[tilespmem:s10], [sflag:$0x1] =	stream.strided.gather [hbm4b:s9+s23], $0x400, s24, s23, $0x38;
	[tilespmem:$0x10000] =	vst v63  }
0x63: {  	s10 =	sadd.s32 s4, s19  }
0x64: {  	s9 =	sadd.s32 s5, s10  }
0x65: {  	s10 =	sor.u32 $0x3400, s8;
	s9 =	sadd.s32 s7, s9  }
0x66: {  	[tilespmem:s10], [sflag:$0x1] =	stream.strided.gather [hbm4b:s9+s23], $0x400, s24, s23, $0x38;
	[tilespmem:$0x10000] =	vst v63  }
0x67: {  	s10 =	sadd.s32 s4, s20  }
0x68: {  	s4 =	sadd.s32 s4, s21;
	s9 =	sadd.s32 s5, s10  }
0x69: {  	s10 =	sor.u32 $0x3800, s8;
	s4 =	sadd.s32 s5, s4;
	s9 =	sadd.s32 s7, s9  }
0x6a: {  	[tilespmem:s10], [sflag:$0x1] =	stream.strided.gather [hbm4b:s9+s23], $0x400, s24, s23, $0x38;
	[tilespmem:$0x10000] =	vst v63  }
0x6b: {  	s4 =	sadd.s32 s7, s4;
	s10 =	sor.u32 $0x3C00, s8  }
0x6c: {  	[tilespmem:s10], [sflag:$0x1] =	stream.strided.gather [hbm4b:s4+s23], $0x400, s24, s23, $0x38;
	[tilespmem:$0x10000] =	vst v63  }
.LBB1_3:
0x6d: {  	s4 =	sadd.s32 $0xFFFFFFFF, s29  }
0x6e: {  	p1 =	sge.u32 s4, s6  }
.Ltmp3:
0x6f: {  	_ = 	snop;
	(pc) =	sbr.rel @p1 .LBB1_9-.Ltmp3, $1  }
0x70: {  	_ =	sdelay $0x3  }
0x71: {  	s4 =	simm.s32 $0x1;
	_ =	swait.ge [sflag:s3], $0x4000;
	s8 =	sshll.u32 s29, $0xE  }
0x72: {  	s4 =	simm.s32 @!p0 $0x0;
	[sflag:s3] =	ssyncset.done $0x0;
	s11 =	sand.u32 $0x4000, s8  }
0x73: {  	s8 =	simm.s32 $0x0;
	s4 =	sshll.u32 s4, $0xE;
	[sflag:s3] =	ssyncadd.s32 $0xFFFFC000  }
0x74: {  	s5 =	sor.u32 $0x8020, s4;
	s7 =	sor.u32 $0x20, s4;
	s4 =	sor.u32 $0x8000, s11  }
.LBB1_5:
0x75: {  	v1 =	vmov s7;
	_ =	sdelay $0x3  }
0x76: {  	s9 =	simm.s32 $0x0  }
0x77: {  	v3 =	vld.idx.msk [tilespmem:v1+s9+$0x10 ss:$0x1], $0xffff  }
0x78: {  	v0 =	vmov s5;
	v4 =	vld.idx.msk [tilespmem:v1+s9+$0xFFFFFFE0 ss:$0x1], $0xffff  }
0x79: {  	v2 =	vld.idx.msk [tilespmem:v1+s9+$0xFFFFFFF0 ss:$0x1], $0xffff  }
0x7a: {  	s10 =	simm.s32 $0x100;
	v5 =	vld.idx.msk [tilespmem:v1+s9+$0x0 ss:$0x1], $0xffff  }
.LBB1_6:
0x7b: {  	p1 =	sne.s32 s10, $0xF00  }
.Ltmp4:
0x7c: {  	s11 =	sshra.s32 s10, $0x2;
	s10 =	sadd.s32 $0x100, s10;
	(pc) =	sbr.rel @p1 .LBB1_6-.Ltmp4, $4  }
0x7d: {  	[tilespmem:v0+s9+$0x10 ss:$0x1] =	vst.idx.msk $0xffff, v3;
	v3 =	vld.idx.msk [tilespmem:v1+s11+$0x10 ss:$0x1], $0xffff  }
0x7e: {  	[tilespmem:v0+s9+$0xFFFFFFE0 ss:$0x1] =	vst.idx.msk $0xffff, v4;
	v4 =	vld.idx.msk [tilespmem:v1+s11+$0xFFFFFFE0 ss:$0x1], $0xffff  }
0x7f: {  	[tilespmem:v0+s9+$0xFFFFFFF0 ss:$0x1] =	vst.idx.msk $0xffff, v2;
	v2 =	vld.idx.msk [tilespmem:v1+s11+$0xFFFFFFF0 ss:$0x1], $0xffff  }
0x80: {  	[tilespmem:v0+s9+$0x0 ss:$0x1] =	vst.idx.msk $0xffff, v5;
	v5 =	vld.idx.msk [tilespmem:v1+s11+$0x0 ss:$0x1], $0xffff;
	s9 =	smov.u32 s11  }
0x81: {  	_ = 	snop  }
0x82: {  	s8 =	sadd.s32 $0x1, s8  }
0x83: {  	p1 =	sne.s32 s8, $0x10  }
.Ltmp5:
0x84: {  	_ = 	snop;
	(pc) =	sbr.rel @p1 .LBB1_5-.Ltmp5, $4  }
0x85: {  	[tilespmem:v0+s9+$0x10 ss:$0x1] =	vst.idx.msk $0xffff, v3  }
0x86: {  	[tilespmem:v0+s9+$0xFFFFFFE0 ss:$0x1] =	vst.idx.msk $0xffff, v4  }
0x87: {  	[tilespmem:v0+s9+$0xFFFFFFF0 ss:$0x1] =	vst.idx.msk $0xffff, v2  }
0x88: {  	s5 =	sadd.s32 $0x400, s5;
	s7 =	sadd.s32 $0x400, s7;
	[tilespmem:v0+s9+$0x0 ss:$0x1] =	vst.idx.msk $0xffff, v5  }
0x89: {  	s1 =	smul.u32 $0x2A000, s1;
	s0 =	sshll.u32 s0, $0xC;
	s5 =	rddreg [dreg:$0x3]  }
.Ltmp6:
0x8a: {  	s0 =	sadd.s32 s5, s0;
	(pc) =	sbr.rel .LBB1_9-.Ltmp6, $4  }
0x8b: {  	s30 =	smul.u32 $0x3000, s30;
	s7 =	sshll.u32 s31, $0x8;
	s0 =	sadd.s32 s1, s0  }
0x8c: {  	s0 =	sadd.s32 s7, s0  }
0x8d: {  	s11 =	stileid.u32;
	s0 =	sadd.s32 s30, s0  }
0x8e: {  	[hbm4b:s0+s23] =	stream.strided.scatter [tilespmem:s4], [sflag:$0x2], $0x4000, s24, s23, $0x38;
	[tilespmem:$0x10000] =	vst v63  }
.LBB1_10:
0x8f: {  	_ =	sfence.sel $0x180000  }
0x90: {  	s0 =	simm.s32 $0x1;
	[bflag:$0x0] =	sbarrier.arrive $0xFFFF  }
0x91: {  	s31 =	simm.s32 $0x2;
	[sflag:s0] =	ssyncpa.u1 $0x1  }
0x92: {  	[sflag:s31] =	ssyncpa.u1 $0x1  }
0x93: {  	_ =	strace $0x90000047  }
0x94: {  	[bflag:$0x2] =	sbarrier.arrive $0xFFFF  }
0x95: {  	p0 =	sne.s32 s11, $0x0;
	s0 =	rddreg [dreg:$0x1]  }
0x96: {  	s0 =	sadd.s32 @!p0 $0x100000, s0  }
0x97: {  	[sflag:s0] =	ssyncadd.tile.s32 @!p0 $0x1;
	_ =	shalt  }
.Lfunc_end1:
_tile_overlayer_lowered:
.L_overlay_start_2:
0x98: {  	(tag) =	ssettag $0x2  }
0x99: {  	s0 =	rddreg [dreg:$0x0];
	s2 =	stileid.u32  }
0x9a: {  	s1 =	rddreg [dreg:$0x1];
	p0 =	sne.s32 s2, $0x0  }
0x9b: {  	s3 =	rddreg [dreg:$0x2];
	[bflag:$0x3] =	sbarrier.arrive $0xFFFF;
	s2 =	simm.s32 @!p0 $0x1C01  }
0x9c: {  	[timem:s3], [sflag:s2] =	dma.local @!p0 [hbm:s0], s1  }
0x9d: {  	s0 =	simm.s32 @!p0 $0x1  }
0x9e: {  	_ =	swait.ge @!p0 [sflag:s0], s1  }
0x9f: {  	s1 =	ssub.s32 @!p0 $0x0, s1;
	[sflag:s0] =	ssyncset.done @!p0 $0x0  }
0xa0: {  	[sflag:s0] =	ssyncadd.s32 @!p0 s1  }
0xa1: {  	[bflag:$0x3] =	sbarrier.arrive $0xFFFF  }
0xa2: {  	_ =	shalt  }

</sc_bundles>
